<compile_context>
chip_gen: v7x
topology: tpu7x:2x2x1
jax: 0.10.2.dev20260603
libtpu: 0.0.44.dev20260713+nightly
codegen_flags: <defaults>
</compile_context>

<pallas_src>
import functools

import jax
import jax.numpy as jnp
from jax import lax
from jax.experimental import pallas as pl
from jax.experimental.pallas import tpu as pltpu
from jax.experimental.pallas import tpu_sc as plsc

D = 128
IPG = 128
K = 2
GROUP = K * IPG
NBANK = 3


@functools.lru_cache(maxsize=None)
def _make_gather(B: int):
    info = plsc.get_sparse_core_info()
    NC, NS = info.num_cores, info.num_subcores
    NW = NC * NS
    b_per_w = B // NW
    n_chunks_w = b_per_w // IPG
    G = b_per_w // GROUP
    assert B % (NW * GROUP) == 0 and G >= 6 and (G - 4) % NBANK == 0
    mesh = plsc.VectorSubcoreMesh(core_axis_name="c", subcore_axis_name="s")

    @functools.partial(
        pl.kernel,
        out_type=jax.ShapeDtypeStruct((B, D), jnp.float32),
        mesh=mesh,
        scratch_types=[
            pltpu.VMEM((n_chunks_w, IPG), jnp.int32),
            pltpu.VMEM((GROUP, D), jnp.float32),
            pltpu.VMEM((GROUP, D), jnp.float32),
            pltpu.VMEM((GROUP, D), jnp.float32),
            pltpu.SemaphoreType.DMA,
            pltpu.SemaphoreType.DMA,
            pltpu.SemaphoreType.DMA,
            pltpu.SemaphoreType.DMA,
            pltpu.SemaphoreType.DMA,
            pltpu.SemaphoreType.DMA,
        ],
    )
    def gather_kernel(table_hbm, idx_hbm, out_hbm,
                      idx_all, rows0, rows1, rows2,
                      sg0, sg1, sg2, so0, so1, so2):
        wid = lax.axis_index("s") * NC + lax.axis_index("c")
        rbase = wid * b_per_w

        pltpu.sync_copy(idx_hbm.at[pl.ds(wid * n_chunks_w, n_chunks_w)], idx_all)

        rows = (rows0, rows1, rows2)
        sg = (sg0, sg1, sg2)
        so = (so0, so1, so2)

        def g_desc(g, bank, h):
            return pltpu.make_async_copy(
                table_hbm.at[idx_all.at[g * K + h]],
                rows[bank].at[pl.ds(h * IPG, IPG)],
                sg[bank],
            )

        def s_desc(g, bank):
            return pltpu.make_async_copy(
                rows[bank],
                out_hbm.at[pl.ds(rbase + g * GROUP, GROUP)],
                so[bank],
            )

        def gath(g, bank):
            for h in range(K):
                g_desc(g, bank, h).start()

        def gath_wait(g, bank):
            for h in range(K):
                g_desc(g, bank, h).wait()

        def step(g, bank, first=False, fire=True):
            gath_wait(g, bank)
            s_desc(g, bank).start()
            if not first:
                s_desc(g - 1, (bank - 1) % NBANK).wait()
            if fire:
                gath(g + 2, (bank + 2) % NBANK)

        gath(0, 0)
        gath(1, 1)
        step(0, 0, first=True)

        def body(u, carry):
            g = 1 + NBANK * u
            step(g + 0, 1)
            step(g + 1, 2)
            step(g + 2, 0)
            return carry

        lax.fori_loop(0, (G - 4) // NBANK, body, 0)

        b3 = (G - 3) % NBANK
        step(G - 3, b3, fire=True)
        step(G - 2, (b3 + 1) % NBANK, fire=False)
        step(G - 1, (b3 + 2) % NBANK, fire=False)
        s_desc(G - 1, (b3 + 2) % NBANK).wait()

    return gather_kernel


def kernel(indices, feature_tensor):
    B = indices.size
    nb, nt = indices.shape
    idx2d = indices.T.reshape(B // IPG, IPG).astype(jnp.int32)
    out = _make_gather(B)(feature_tensor, idx2d)
    return out.reshape(nt, nb, D).transpose(1, 0, 2)

# --- scband reference (transcript-rebuilt; emitter-appended) ---
"""Pipeline reference for scband-static-feature-embedder-6588479832257 (READ-ONLY COPY).

The authoritative reference and input builder live on the scoring server;
editing this copy changes nothing except your own understanding.
"""

import jax, jax.numpy as jnp
import numpy as np

VOCAB = 100000
EMBED_DIM = 128
BATCH = 16384
HIST_LEN = 50

def setup_inputs(seed: int = 0) -> dict:
    key = jax.random.key(seed)
    k1, k2 = jax.random.split(key)
    indices = jax.random.randint(k1, (BATCH, HIST_LEN), 0, VOCAB, dtype=jnp.int64 if jax.config.jax_enable_x64 else jnp.int32)
    feature_tensor = jax.random.normal(k2, (VOCAB, EMBED_DIM), dtype=jnp.float32)
    return {"indices": indices, "feature_tensor": feature_tensor}

def reference(indices, feature_tensor):
    # StaticFeatureEmbedder.forward: indices = node_seq[self.feature_field];
    # tensors = self.feature_tensor[indices]
    tensors = jnp.take(feature_tensor, indices, axis=0)
    return tensors

if __name__ == "__main__":
    import jax
    _d = setup_inputs()
    print(jax.jit(kernel)(*tuple(_d.values())))

</pallas_src>

<mosaic_0001>
#map = affine_map<(d0, d1) -> (0, 0)>
module attributes {stable_mosaic.version = 14 : i64} {
  func.func @gather_kernel(%arg0: i32, %arg1: i32, %arg2: memref<100000x128xf32, #tpu.memory_space<hbm>>, %arg3: memref<6400x128xi32, #tpu.memory_space<hbm>>, %arg4: memref<819200x128xf32, #tpu.memory_space<hbm>>, %arg5: memref<200x128xi32, #tpu.memory_space<vmem>>, %arg6: memref<256x128xf32, #tpu.memory_space<vmem>>, %arg7: memref<256x128xf32, #tpu.memory_space<vmem>>, %arg8: memref<256x128xf32, #tpu.memory_space<vmem>>, %arg9: memref<!tpu.dma_semaphore, #tpu.memory_space<semaphore_mem>>, %arg10: memref<!tpu.dma_semaphore, #tpu.memory_space<semaphore_mem>>, %arg11: memref<!tpu.dma_semaphore, #tpu.memory_space<semaphore_mem>>, %arg12: memref<!tpu.dma_semaphore, #tpu.memory_space<semaphore_mem>>, %arg13: memref<!tpu.dma_semaphore, #tpu.memory_space<semaphore_mem>>, %arg14: memref<!tpu.dma_semaphore, #tpu.memory_space<semaphore_mem>>) attributes {dimension_semantics = [#tpu.dimension_semantics<core_parallel>, #tpu.dimension_semantics<subcore_parallel>], iteration_bounds = array<i64: 2, 16>, scalar_prefetch = 0 : i64, scratch_operands = 10 : i64, tpu.core_type = #tpu.core_type<sc_vector_subcore>, window_params = [{transform_indices = #map}, {transform_indices = #map}, {transform_indices = #map}]} {
    %mul3A = arith.constant 2 : i32
    %mul3A_0 = arith.muli %arg1, %mul3A : i32
    %add3A = arith.addi %mul3A_0, %arg0 : i32
    %mul3A_1 = arith.constant 25600 : i32
    %mul3A_2 = arith.muli %add3A, %mul3A_1 : i32
    %mul3A_3 = arith.constant 200 : i32
    %mul3A_4 = arith.muli %add3A, %mul3A_3 : i32
    "tpu.region"() ({
      %run_scoped3A = tpu.sem_alloc : memref<!tpu.dma_semaphore, #tpu.memory_space<semaphore_mem>>
      %dma_start3A_216 = arith.constant 0 : i32
      %dma_start3A_217 = tpu.memref_slice %arg3[%mul3A_4, %dma_start3A_216] : memref<6400x128xi32, #tpu.memory_space<hbm>> -> memref<200x128xi32, #tpu.memory_space<hbm>>
      %dma_start3A_218 = arith.constant 0 : i32
      %dma_start3A_219 = tpu.memref_slice %arg3[%mul3A_4, %dma_start3A_218] : memref<6400x128xi32, #tpu.memory_space<hbm>> -> memref<200x128xi32, #tpu.memory_space<hbm>>
      tpu.enqueue_dma source(%dma_start3A_219 : memref<200x128xi32, #tpu.memory_space<hbm>>) target(%arg5 : memref<200x128xi32, #tpu.memory_space<vmem>>) target_semaphore(%run_scoped3A : memref<!tpu.dma_semaphore, #tpu.memory_space<semaphore_mem>>)
      %dma_wait3A_220 = arith.constant 0 : i32
      %dma_wait3A_221 = tpu.memref_slice %arg3[%mul3A_4, %dma_wait3A_220] : memref<6400x128xi32, #tpu.memory_space<hbm>> -> memref<200x128xi32, #tpu.memory_space<hbm>>
      %dma_wait3A_222 = arith.constant 0 : i32
      %dma_wait3A_223 = tpu.memref_slice %arg3[%mul3A_4, %dma_wait3A_222] : memref<6400x128xi32, #tpu.memory_space<hbm>> -> memref<200x128xi32, #tpu.memory_space<hbm>>
      tpu.wait_dma2 semaphore(%run_scoped3A : memref<!tpu.dma_semaphore, #tpu.memory_space<semaphore_mem>>) src(%dma_wait3A_223 : memref<200x128xi32, #tpu.memory_space<hbm>>) dst(%arg5 : memref<200x128xi32, #tpu.memory_space<vmem>>)
      tpu.yield
    }) : () -> ()
    %dma_start3A = arith.constant 0 : i32
    %dma_start3A_5 = arith.constant 0 : i32
    %dma_start3A_6 = arith.constant 0 : i32
    %dma_start3A_7 = tpu.memref_slice %arg6[%dma_start3A_5, %dma_start3A_6] : memref<256x128xf32, #tpu.memory_space<vmem>> -> memref<128x128xf32, #tpu.memory_space<vmem>>
    %dma_start3A_8 = arith.constant 0 : i32
    %dma_start3A_9 = tpu.memref_slice %arg5[%dma_start3A, %dma_start3A_8] : memref<200x128xi32, #tpu.memory_space<vmem>> -> memref<1x128xi32, #tpu.memory_space<vmem>>
    %dma_start3A_10 = tpu.memref_squeeze %dma_start3A_9 : memref<1x128xi32, #tpu.memory_space<vmem>> -> memref<128xi32, #tpu.memory_space<vmem>>
    %dma_start3A_11 = arith.constant 0 : i32
    %dma_start3A_12 = arith.constant 0 : i32
    %dma_start3A_13 = tpu.memref_slice %arg2[%dma_start3A_11, %dma_start3A_12] : memref<100000x128xf32, #tpu.memory_space<hbm>> -> memref<100000x128xf32, #tpu.memory_space<hbm>>
    tpu.enqueue_indirect_dma source(%dma_start3A_13 : memref<100000x128xf32, #tpu.memory_space<hbm>>) target(%dma_start3A_7 : memref<128x128xf32, #tpu.memory_space<vmem>>) offsets(%dma_start3A_10 : memref<128xi32, #tpu.memory_space<vmem>>) semaphore(%arg9 : memref<!tpu.dma_semaphore, #tpu.memory_space<semaphore_mem>>)
    %dma_start3A_14 = arith.constant 1 : i32
    %dma_start3A_15 = arith.constant 128 : i32
    %dma_start3A_16 = arith.constant 0 : i32
    %dma_start3A_17 = tpu.memref_slice %arg6[%dma_start3A_15, %dma_start3A_16] : memref<256x128xf32, #tpu.memory_space<vmem>> -> memref<128x128xf32, #tpu.memory_space<vmem>>
    %dma_start3A_18 = arith.constant 0 : i32
    %dma_start3A_19 = tpu.memref_slice %arg5[%dma_start3A_14, %dma_start3A_18] : memref<200x128xi32, #tpu.memory_space<vmem>> -> memref<1x128xi32, #tpu.memory_space<vmem>>
    %dma_start3A_20 = tpu.memref_squeeze %dma_start3A_19 : memref<1x128xi32, #tpu.memory_space<vmem>> -> memref<128xi32, #tpu.memory_space<vmem>>
    %dma_start3A_21 = arith.constant 0 : i32
    %dma_start3A_22 = arith.constant 0 : i32
    %dma_start3A_23 = tpu.memref_slice %arg2[%dma_start3A_21, %dma_start3A_22] : memref<100000x128xf32, #tpu.memory_space<hbm>> -> memref<100000x128xf32, #tpu.memory_space<hbm>>
    tpu.enqueue_indirect_dma source(%dma_start3A_23 : memref<100000x128xf32, #tpu.memory_space<hbm>>) target(%dma_start3A_17 : memref<128x128xf32, #tpu.memory_space<vmem>>) offsets(%dma_start3A_20 : memref<128xi32, #tpu.memory_space<vmem>>) semaphore(%arg9 : memref<!tpu.dma_semaphore, #tpu.memory_space<semaphore_mem>>)
    %dma_start3A_24 = arith.constant 2 : i32
    %dma_start3A_25 = arith.constant 0 : i32
    %dma_start3A_26 = arith.constant 0 : i32
    %dma_start3A_27 = tpu.memref_slice %arg7[%dma_start3A_25, %dma_start3A_26] : memref<256x128xf32, #tpu.memory_space<vmem>> -> memref<128x128xf32, #tpu.memory_space<vmem>>
    %dma_start3A_28 = arith.constant 0 : i32
    %dma_start3A_29 = tpu.memref_slice %arg5[%dma_start3A_24, %dma_start3A_28] : memref<200x128xi32, #tpu.memory_space<vmem>> -> memref<1x128xi32, #tpu.memory_space<vmem>>
    %dma_start3A_30 = tpu.memref_squeeze %dma_start3A_29 : memref<1x128xi32, #tpu.memory_space<vmem>> -> memref<128xi32, #tpu.memory_space<vmem>>
    %dma_start3A_31 = arith.constant 0 : i32
    %dma_start3A_32 = arith.constant 0 : i32
    %dma_start3A_33 = tpu.memref_slice %arg2[%dma_start3A_31, %dma_start3A_32] : memref<100000x128xf32, #tpu.memory_space<hbm>> -> memref<100000x128xf32, #tpu.memory_space<hbm>>
    tpu.enqueue_indirect_dma source(%dma_start3A_33 : memref<100000x128xf32, #tpu.memory_space<hbm>>) target(%dma_start3A_27 : memref<128x128xf32, #tpu.memory_space<vmem>>) offsets(%dma_start3A_30 : memref<128xi32, #tpu.memory_space<vmem>>) semaphore(%arg10 : memref<!tpu.dma_semaphore, #tpu.memory_space<semaphore_mem>>)
    %dma_start3A_34 = arith.constant 3 : i32
    %dma_start3A_35 = arith.constant 128 : i32
    %dma_start3A_36 = arith.constant 0 : i32
    %dma_start3A_37 = tpu.memref_slice %arg7[%dma_start3A_35, %dma_start3A_36] : memref<256x128xf32, #tpu.memory_space<vmem>> -> memref<128x128xf32, #tpu.memory_space<vmem>>
    %dma_start3A_38 = arith.constant 0 : i32
    %dma_start3A_39 = tpu.memref_slice %arg5[%dma_start3A_34, %dma_start3A_38] : memref<200x128xi32, #tpu.memory_space<vmem>> -> memref<1x128xi32, #tpu.memory_space<vmem>>
    %dma_start3A_40 = tpu.memref_squeeze %dma_start3A_39 : memref<1x128xi32, #tpu.memory_space<vmem>> -> memref<128xi32, #tpu.memory_space<vmem>>
    %dma_start3A_41 = arith.constant 0 : i32
    %dma_start3A_42 = arith.constant 0 : i32
    %dma_start3A_43 = tpu.memref_slice %arg2[%dma_start3A_41, %dma_start3A_42] : memref<100000x128xf32, #tpu.memory_space<hbm>> -> memref<100000x128xf32, #tpu.memory_space<hbm>>
    tpu.enqueue_indirect_dma source(%dma_start3A_43 : memref<100000x128xf32, #tpu.memory_space<hbm>>) target(%dma_start3A_37 : memref<128x128xf32, #tpu.memory_space<vmem>>) offsets(%dma_start3A_40 : memref<128xi32, #tpu.memory_space<vmem>>) semaphore(%arg10 : memref<!tpu.dma_semaphore, #tpu.memory_space<semaphore_mem>>)
    %dma_wait3A = arith.constant 0 : i32
    %dma_wait3A_44 = arith.constant 0 : i32
    %dma_wait3A_45 = arith.constant 0 : i32
    %dma_wait3A_46 = tpu.memref_slice %arg6[%dma_wait3A_44, %dma_wait3A_45] : memref<256x128xf32, #tpu.memory_space<vmem>> -> memref<128x128xf32, #tpu.memory_space<vmem>>
    %dma_wait3A_47 = arith.constant 0 : i32
    %dma_wait3A_48 = tpu.memref_slice %arg5[%dma_wait3A, %dma_wait3A_47] : memref<200x128xi32, #tpu.memory_space<vmem>> -> memref<1x128xi32, #tpu.memory_space<vmem>>
    %dma_wait3A_49 = tpu.memref_squeeze %dma_wait3A_48 : memref<1x128xi32, #tpu.memory_space<vmem>> -> memref<128xi32, #tpu.memory_space<vmem>>
    %dma_wait3A_50 = arith.constant 0 : i32
    %dma_wait3A_51 = arith.constant 0 : i32
    %dma_wait3A_52 = tpu.memref_slice %arg2[%dma_wait3A_50, %dma_wait3A_51] : memref<100000x128xf32, #tpu.memory_space<hbm>> -> memref<100000x128xf32, #tpu.memory_space<hbm>>
    tpu.wait_indirect_dma semaphore(%arg9 : memref<!tpu.dma_semaphore, #tpu.memory_space<semaphore_mem>>) src(%dma_wait3A_52 : memref<100000x128xf32, #tpu.memory_space<hbm>>) dst(%dma_wait3A_46 : memref<128x128xf32, #tpu.memory_space<vmem>>)
    %dma_wait3A_53 = arith.constant 1 : i32
    %dma_wait3A_54 = arith.constant 128 : i32
    %dma_wait3A_55 = arith.constant 0 : i32
    %dma_wait3A_56 = tpu.memref_slice %arg6[%dma_wait3A_54, %dma_wait3A_55] : memref<256x128xf32, #tpu.memory_space<vmem>> -> memref<128x128xf32, #tpu.memory_space<vmem>>
    %dma_wait3A_57 = arith.constant 0 : i32
    %dma_wait3A_58 = tpu.memref_slice %arg5[%dma_wait3A_53, %dma_wait3A_57] : memref<200x128xi32, #tpu.memory_space<vmem>> -> memref<1x128xi32, #tpu.memory_space<vmem>>
    %dma_wait3A_59 = tpu.memref_squeeze %dma_wait3A_58 : memref<1x128xi32, #tpu.memory_space<vmem>> -> memref<128xi32, #tpu.memory_space<vmem>>
    %dma_wait3A_60 = arith.constant 0 : i32
    %dma_wait3A_61 = arith.constant 0 : i32
    %dma_wait3A_62 = tpu.memref_slice %arg2[%dma_wait3A_60, %dma_wait3A_61] : memref<100000x128xf32, #tpu.memory_space<hbm>> -> memref<100000x128xf32, #tpu.memory_space<hbm>>
    tpu.wait_indirect_dma semaphore(%arg9 : memref<!tpu.dma_semaphore, #tpu.memory_space<semaphore_mem>>) src(%dma_wait3A_62 : memref<100000x128xf32, #tpu.memory_space<hbm>>) dst(%dma_wait3A_56 : memref<128x128xf32, #tpu.memory_space<vmem>>)
    %add3A_63 = arith.constant 0 : i32
    %add3A_64 = arith.addi %mul3A_2, %add3A_63 : i32
    %dma_start3A_65 = arith.constant 0 : i32
    %dma_start3A_66 = tpu.memref_slice %arg4[%add3A_64, %dma_start3A_65] : memref<819200x128xf32, #tpu.memory_space<hbm>> -> memref<256x128xf32, #tpu.memory_space<hbm>>
    %dma_start3A_67 = arith.constant 0 : i32
    %dma_start3A_68 = tpu.memref_slice %arg4[%add3A_64, %dma_start3A_67] : memref<819200x128xf32, #tpu.memory_space<hbm>> -> memref<256x128xf32, #tpu.memory_space<hbm>>
    tpu.enqueue_dma source(%arg6 : memref<256x128xf32, #tpu.memory_space<vmem>>) target(%dma_start3A_68 : memref<256x128xf32, #tpu.memory_space<hbm>>) target_semaphore(%arg12 : memref<!tpu.dma_semaphore, #tpu.memory_space<semaphore_mem>>)
    %dma_start3A_69 = arith.constant 4 : i32
    %dma_start3A_70 = arith.constant 0 : i32
    %dma_start3A_71 = arith.constant 0 : i32
    %dma_start3A_72 = tpu.memref_slice %arg8[%dma_start3A_70, %dma_start3A_71] : memref<256x128xf32, #tpu.memory_space<vmem>> -> memref<128x128xf32, #tpu.memory_space<vmem>>
    %dma_start3A_73 = arith.constant 0 : i32
    %dma_start3A_74 = tpu.memref_slice %arg5[%dma_start3A_69, %dma_start3A_73] : memref<200x128xi32, #tpu.memory_space<vmem>> -> memref<1x128xi32, #tpu.memory_space<vmem>>
    %dma_start3A_75 = tpu.memref_squeeze %dma_start3A_74 : memref<1x128xi32, #tpu.memory_space<vmem>> -> memref<128xi32, #tpu.memory_space<vmem>>
    %dma_start3A_76 = arith.constant 0 : i32
    %dma_start3A_77 = arith.constant 0 : i32
    %dma_start3A_78 = tpu.memref_slice %arg2[%dma_start3A_76, %dma_start3A_77] : memref<100000x128xf32, #tpu.memory_space<hbm>> -> memref<100000x128xf32, #tpu.memory_space<hbm>>
    tpu.enqueue_indirect_dma source(%dma_start3A_78 : memref<100000x128xf32, #tpu.memory_space<hbm>>) target(%dma_start3A_72 : memref<128x128xf32, #tpu.memory_space<vmem>>) offsets(%dma_start3A_75 : memref<128xi32, #tpu.memory_space<vmem>>) semaphore(%arg11 : memref<!tpu.dma_semaphore, #tpu.memory_space<semaphore_mem>>)
    %dma_start3A_79 = arith.constant 5 : i32
    %dma_start3A_80 = arith.constant 128 : i32
    %dma_start3A_81 = arith.constant 0 : i32
    %dma_start3A_82 = tpu.memref_slice %arg8[%dma_start3A_80, %dma_start3A_81] : memref<256x128xf32, #tpu.memory_space<vmem>> -> memref<128x128xf32, #tpu.memory_space<vmem>>
    %dma_start3A_83 = arith.constant 0 : i32
    %dma_start3A_84 = tpu.memref_slice %arg5[%dma_start3A_79, %dma_start3A_83] : memref<200x128xi32, #tpu.memory_space<vmem>> -> memref<1x128xi32, #tpu.memory_space<vmem>>
    %dma_start3A_85 = tpu.memref_squeeze %dma_start3A_84 : memref<1x128xi32, #tpu.memory_space<vmem>> -> memref<128xi32, #tpu.memory_space<vmem>>
    %dma_start3A_86 = arith.constant 0 : i32
    %dma_start3A_87 = arith.constant 0 : i32
    %dma_start3A_88 = tpu.memref_slice %arg2[%dma_start3A_86, %dma_start3A_87] : memref<100000x128xf32, #tpu.memory_space<hbm>> -> memref<100000x128xf32, #tpu.memory_space<hbm>>
    tpu.enqueue_indirect_dma source(%dma_start3A_88 : memref<100000x128xf32, #tpu.memory_space<hbm>>) target(%dma_start3A_82 : memref<128x128xf32, #tpu.memory_space<vmem>>) offsets(%dma_start3A_85 : memref<128xi32, #tpu.memory_space<vmem>>) semaphore(%arg11 : memref<!tpu.dma_semaphore, #tpu.memory_space<semaphore_mem>>)
    %scan3A = arith.constant 0 : i32
    %scan3A_89 = arith.constant 0 : i32
    %scan3A_90 = arith.constant 32 : i32
    %scan3A_91 = arith.addi %scan3A_89, %scan3A_90 : i32
    %scan3A_92 = arith.constant 1 : i32
    scf.for %scan3A_216 = %scan3A_89 to %scan3A_91 step %scan3A_92  : i32 {
      %mul3A_217 = arith.constant 3 : i32
      %mul3A_218 = arith.muli %mul3A_217, %scan3A_216 : i32
      %add3A_219 = arith.constant 1 : i32
      %add3A_220 = arith.addi %add3A_219, %mul3A_218 : i32
      %add3A_221 = arith.constant 0 : i32
      %add3A_222 = arith.addi %add3A_220, %add3A_221 : i32
      %mul3A_223 = arith.constant 2 : i32
      %mul3A_224 = arith.muli %add3A_222, %mul3A_223 : i32
      %add3A_225 = arith.constant 0 : i32
      %add3A_226 = arith.addi %mul3A_224, %add3A_225 : i32
      %dma_wait3A_227 = arith.constant 0 : i32
      %dma_wait3A_228 = arith.constant 0 : i32
      %dma_wait3A_229 = tpu.memref_slice %arg7[%dma_wait3A_227, %dma_wait3A_228] : memref<256x128xf32, #tpu.memory_space<vmem>> -> memref<128x128xf32, #tpu.memory_space<vmem>>
      %dma_wait3A_230 = arith.constant 0 : i32
      %dma_wait3A_231 = tpu.memref_slice %arg5[%add3A_226, %dma_wait3A_230] : memref<200x128xi32, #tpu.memory_space<vmem>> -> memref<1x128xi32, #tpu.memory_space<vmem>>
      %dma_wait3A_232 = tpu.memref_squeeze %dma_wait3A_231 : memref<1x128xi32, #tpu.memory_space<vmem>> -> memref<128xi32, #tpu.memory_space<vmem>>
      %dma_wait3A_233 = arith.constant 0 : i32
      %dma_wait3A_234 = arith.constant 0 : i32
      %dma_wait3A_235 = tpu.memref_slice %arg2[%dma_wait3A_233, %dma_wait3A_234] : memref<100000x128xf32, #tpu.memory_space<hbm>> -> memref<100000x128xf32, #tpu.memory_space<hbm>>
      tpu.wait_indirect_dma semaphore(%arg10 : memref<!tpu.dma_semaphore, #tpu.memory_space<semaphore_mem>>) src(%dma_wait3A_235 : memref<100000x128xf32, #tpu.memory_space<hbm>>) dst(%dma_wait3A_229 : memref<128x128xf32, #tpu.memory_space<vmem>>)
      %mul3A_236 = arith.constant 2 : i32
      %mul3A_237 = arith.muli %add3A_222, %mul3A_236 : i32
      %add3A_238 = arith.constant 1 : i32
      %add3A_239 = arith.addi %mul3A_237, %add3A_238 : i32
      %dma_wait3A_240 = arith.constant 128 : i32
      %dma_wait3A_241 = arith.constant 0 : i32
      %dma_wait3A_242 = tpu.memref_slice %arg7[%dma_wait3A_240, %dma_wait3A_241] : memref<256x128xf32, #tpu.memory_space<vmem>> -> memref<128x128xf32, #tpu.memory_space<vmem>>
      %dma_wait3A_243 = arith.constant 0 : i32
      %dma_wait3A_244 = tpu.memref_slice %arg5[%add3A_239, %dma_wait3A_243] : memref<200x128xi32, #tpu.memory_space<vmem>> -> memref<1x128xi32, #tpu.memory_space<vmem>>
      %dma_wait3A_245 = tpu.memref_squeeze %dma_wait3A_244 : memref<1x128xi32, #tpu.memory_space<vmem>> -> memref<128xi32, #tpu.memory_space<vmem>>
      %dma_wait3A_246 = arith.constant 0 : i32
      %dma_wait3A_247 = arith.constant 0 : i32
      %dma_wait3A_248 = tpu.memref_slice %arg2[%dma_wait3A_246, %dma_wait3A_247] : memref<100000x128xf32, #tpu.memory_space<hbm>> -> memref<100000x128xf32, #tpu.memory_space<hbm>>
      tpu.wait_indirect_dma semaphore(%arg10 : memref<!tpu.dma_semaphore, #tpu.memory_space<semaphore_mem>>) src(%dma_wait3A_248 : memref<100000x128xf32, #tpu.memory_space<hbm>>) dst(%dma_wait3A_242 : memref<128x128xf32, #tpu.memory_space<vmem>>)
      %mul3A_249 = arith.constant 256 : i32
      %mul3A_250 = arith.muli %add3A_222, %mul3A_249 : i32
      %add3A_251 = arith.addi %mul3A_2, %mul3A_250 : i32
      %dma_start3A_252 = arith.constant 0 : i32
      %dma_start3A_253 = tpu.memref_slice %arg4[%add3A_251, %dma_start3A_252] : memref<819200x128xf32, #tpu.memory_space<hbm>> -> memref<256x128xf32, #tpu.memory_space<hbm>>
      %dma_start3A_254 = arith.constant 0 : i32
      %dma_start3A_255 = tpu.memref_slice %arg4[%add3A_251, %dma_start3A_254] : memref<819200x128xf32, #tpu.memory_space<hbm>> -> memref<256x128xf32, #tpu.memory_space<hbm>>
      tpu.enqueue_dma source(%arg7 : memref<256x128xf32, #tpu.memory_space<vmem>>) target(%dma_start3A_255 : memref<256x128xf32, #tpu.memory_space<hbm>>) target_semaphore(%arg13 : memref<!tpu.dma_semaphore, #tpu.memory_space<semaphore_mem>>)
      %sub3A = arith.constant 1 : i32
      %sub3A_256 = arith.subi %add3A_222, %sub3A : i32
      %mul3A_257 = arith.constant 256 : i32
      %mul3A_258 = arith.muli %sub3A_256, %mul3A_257 : i32
      %add3A_259 = arith.addi %mul3A_2, %mul3A_258 : i32
      %dma_wait3A_260 = arith.constant 0 : i32
      %dma_wait3A_261 = tpu.memref_slice %arg4[%add3A_259, %dma_wait3A_260] : memref<819200x128xf32, #tpu.memory_space<hbm>> -> memref<256x128xf32, #tpu.memory_space<hbm>>
      %dma_wait3A_262 = arith.constant 0 : i32
      %dma_wait3A_263 = tpu.memref_slice %arg4[%add3A_259, %dma_wait3A_262] : memref<819200x128xf32, #tpu.memory_space<hbm>> -> memref<256x128xf32, #tpu.memory_space<hbm>>
      tpu.wait_dma2 semaphore(%arg12 : memref<!tpu.dma_semaphore, #tpu.memory_space<semaphore_mem>>) src(%arg6 : memref<256x128xf32, #tpu.memory_space<vmem>>) dst(%dma_wait3A_263 : memref<256x128xf32, #tpu.memory_space<hbm>>)
      %add3A_264 = arith.constant 2 : i32
      %add3A_265 = arith.addi %add3A_222, %add3A_264 : i32
      %mul3A_266 = arith.constant 2 : i32
      %mul3A_267 = arith.muli %add3A_265, %mul3A_266 : i32
      %add3A_268 = arith.constant 0 : i32
      %add3A_269 = arith.addi %mul3A_267, %add3A_268 : i32
      %dma_start3A_270 = arith.constant 0 : i32
      %dma_start3A_271 = arith.constant 0 : i32
      %dma_start3A_272 = tpu.memref_slice %arg6[%dma_start3A_270, %dma_start3A_271] : memref<256x128xf32, #tpu.memory_space<vmem>> -> memref<128x128xf32, #tpu.memory_space<vmem>>
      %dma_start3A_273 = arith.constant 0 : i32
      %dma_start3A_274 = tpu.memref_slice %arg5[%add3A_269, %dma_start3A_273] : memref<200x128xi32, #tpu.memory_space<vmem>> -> memref<1x128xi32, #tpu.memory_space<vmem>>
      %dma_start3A_275 = tpu.memref_squeeze %dma_start3A_274 : memref<1x128xi32, #tpu.memory_space<vmem>> -> memref<128xi32, #tpu.memory_space<vmem>>
      %dma_start3A_276 = arith.constant 0 : i32
      %dma_start3A_277 = arith.constant 0 : i32
      %dma_start3A_278 = tpu.memref_slice %arg2[%dma_start3A_276, %dma_start3A_277] : memref<100000x128xf32, #tpu.memory_space<hbm>> -> memref<100000x128xf32, #tpu.memory_space<hbm>>
      tpu.enqueue_indirect_dma source(%dma_start3A_278 : memref<100000x128xf32, #tpu.memory_space<hbm>>) target(%dma_start3A_272 : memref<128x128xf32, #tpu.memory_space<vmem>>) offsets(%dma_start3A_275 : memref<128xi32, #tpu.memory_space<vmem>>) semaphore(%arg9 : memref<!tpu.dma_semaphore, #tpu.memory_space<semaphore_mem>>)
      %mul3A_279 = arith.constant 2 : i32
      %mul3A_280 = arith.muli %add3A_265, %mul3A_279 : i32
      %add3A_281 = arith.constant 1 : i32
      %add3A_282 = arith.addi %mul3A_280, %add3A_281 : i32
      %dma_start3A_283 = arith.constant 128 : i32
      %dma_start3A_284 = arith.constant 0 : i32
      %dma_start3A_285 = tpu.memref_slice %arg6[%dma_start3A_283, %dma_start3A_284] : memref<256x128xf32, #tpu.memory_space<vmem>> -> memref<128x128xf32, #tpu.memory_space<vmem>>
      %dma_start3A_286 = arith.constant 0 : i32
      %dma_start3A_287 = tpu.memref_slice %arg5[%add3A_282, %dma_start3A_286] : memref<200x128xi32, #tpu.memory_space<vmem>> -> memref<1x128xi32, #tpu.memory_space<vmem>>
      %dma_start3A_288 = tpu.memref_squeeze %dma_start3A_287 : memref<1x128xi32, #tpu.memory_space<vmem>> -> memref<128xi32, #tpu.memory_space<vmem>>
      %dma_start3A_289 = arith.constant 0 : i32
      %dma_start3A_290 = arith.constant 0 : i32
      %dma_start3A_291 = tpu.memref_slice %arg2[%dma_start3A_289, %dma_start3A_290] : memref<100000x128xf32, #tpu.memory_space<hbm>> -> memref<100000x128xf32, #tpu.memory_space<hbm>>
      tpu.enqueue_indirect_dma source(%dma_start3A_291 : memref<100000x128xf32, #tpu.memory_space<hbm>>) target(%dma_start3A_285 : memref<128x128xf32, #tpu.memory_space<vmem>>) offsets(%dma_start3A_288 : memref<128xi32, #tpu.memory_space<vmem>>) semaphore(%arg9 : memref<!tpu.dma_semaphore, #tpu.memory_space<semaphore_mem>>)
      %add3A_292 = arith.constant 1 : i32
      %add3A_293 = arith.addi %add3A_220, %add3A_292 : i32
      %mul3A_294 = arith.constant 2 : i32
      %mul3A_295 = arith.muli %add3A_293, %mul3A_294 : i32
      %add3A_296 = arith.constant 0 : i32
      %add3A_297 = arith.addi %mul3A_295, %add3A_296 : i32
      %dma_wait3A_298 = arith.constant 0 : i32
      %dma_wait3A_299 = arith.constant 0 : i32
      %dma_wait3A_300 = tpu.memref_slice %arg8[%dma_wait3A_298, %dma_wait3A_299] : memref<256x128xf32, #tpu.memory_space<vmem>> -> memref<128x128xf32, #tpu.memory_space<vmem>>
      %dma_wait3A_301 = arith.constant 0 : i32
      %dma_wait3A_302 = tpu.memref_slice %arg5[%add3A_297, %dma_wait3A_301] : memref<200x128xi32, #tpu.memory_space<vmem>> -> memref<1x128xi32, #tpu.memory_space<vmem>>
      %dma_wait3A_303 = tpu.memref_squeeze %dma_wait3A_302 : memref<1x128xi32, #tpu.memory_space<vmem>> -> memref<128xi32, #tpu.memory_space<vmem>>
      %dma_wait3A_304 = arith.constant 0 : i32
      %dma_wait3A_305 = arith.constant 0 : i32
      %dma_wait3A_306 = tpu.memref_slice %arg2[%dma_wait3A_304, %dma_wait3A_305] : memref<100000x128xf32, #tpu.memory_space<hbm>> -> memref<100000x128xf32, #tpu.memory_space<hbm>>
      tpu.wait_indirect_dma semaphore(%arg11 : memref<!tpu.dma_semaphore, #tpu.memory_space<semaphore_mem>>) src(%dma_wait3A_306 : memref<100000x128xf32, #tpu.memory_space<hbm>>) dst(%dma_wait3A_300 : memref<128x128xf32, #tpu.memory_space<vmem>>)
      %mul3A_307 = arith.constant 2 : i32
      %mul3A_308 = arith.muli %add3A_293, %mul3A_307 : i32
      %add3A_309 = arith.constant 1 : i32
      %add3A_310 = arith.addi %mul3A_308, %add3A_309 : i32
      %dma_wait3A_311 = arith.constant 128 : i32
      %dma_wait3A_312 = arith.constant 0 : i32
      %dma_wait3A_313 = tpu.memref_slice %arg8[%dma_wait3A_311, %dma_wait3A_312] : memref<256x128xf32, #tpu.memory_space<vmem>> -> memref<128x128xf32, #tpu.memory_space<vmem>>
      %dma_wait3A_314 = arith.constant 0 : i32
      %dma_wait3A_315 = tpu.memref_slice %arg5[%add3A_310, %dma_wait3A_314] : memref<200x128xi32, #tpu.memory_space<vmem>> -> memref<1x128xi32, #tpu.memory_space<vmem>>
      %dma_wait3A_316 = tpu.memref_squeeze %dma_wait3A_315 : memref<1x128xi32, #tpu.memory_space<vmem>> -> memref<128xi32, #tpu.memory_space<vmem>>
      %dma_wait3A_317 = arith.constant 0 : i32
      %dma_wait3A_318 = arith.constant 0 : i32
      %dma_wait3A_319 = tpu.memref_slice %arg2[%dma_wait3A_317, %dma_wait3A_318] : memref<100000x128xf32, #tpu.memory_space<hbm>> -> memref<100000x128xf32, #tpu.memory_space<hbm>>
      tpu.wait_indirect_dma semaphore(%arg11 : memref<!tpu.dma_semaphore, #tpu.memory_space<semaphore_mem>>) src(%dma_wait3A_319 : memref<100000x128xf32, #tpu.memory_space<hbm>>) dst(%dma_wait3A_313 : memref<128x128xf32, #tpu.memory_space<vmem>>)
      %mul3A_320 = arith.constant 256 : i32
      %mul3A_321 = arith.muli %add3A_293, %mul3A_320 : i32
      %add3A_322 = arith.addi %mul3A_2, %mul3A_321 : i32
      %dma_start3A_323 = arith.constant 0 : i32
      %dma_start3A_324 = tpu.memref_slice %arg4[%add3A_322, %dma_start3A_323] : memref<819200x128xf32, #tpu.memory_space<hbm>> -> memref<256x128xf32, #tpu.memory_space<hbm>>
      %dma_start3A_325 = arith.constant 0 : i32
      %dma_start3A_326 = tpu.memref_slice %arg4[%add3A_322, %dma_start3A_325] : memref<819200x128xf32, #tpu.memory_space<hbm>> -> memref<256x128xf32, #tpu.memory_space<hbm>>
      tpu.enqueue_dma source(%arg8 : memref<256x128xf32, #tpu.memory_space<vmem>>) target(%dma_start3A_326 : memref<256x128xf32, #tpu.memory_space<hbm>>) target_semaphore(%arg14 : memref<!tpu.dma_semaphore, #tpu.memory_space<semaphore_mem>>)
      %sub3A_327 = arith.constant 1 : i32
      %sub3A_328 = arith.subi %add3A_293, %sub3A_327 : i32
      %mul3A_329 = arith.constant 256 : i32
      %mul3A_330 = arith.muli %sub3A_328, %mul3A_329 : i32
      %add3A_331 = arith.addi %mul3A_2, %mul3A_330 : i32
      %dma_wait3A_332 = arith.constant 0 : i32
      %dma_wait3A_333 = tpu.memref_slice %arg4[%add3A_331, %dma_wait3A_332] : memref<819200x128xf32, #tpu.memory_space<hbm>> -> memref<256x128xf32, #tpu.memory_space<hbm>>
      %dma_wait3A_334 = arith.constant 0 : i32
      %dma_wait3A_335 = tpu.memref_slice %arg4[%add3A_331, %dma_wait3A_334] : memref<819200x128xf32, #tpu.memory_space<hbm>> -> memref<256x128xf32, #tpu.memory_space<hbm>>
      tpu.wait_dma2 semaphore(%arg13 : memref<!tpu.dma_semaphore, #tpu.memory_space<semaphore_mem>>) src(%arg7 : memref<256x128xf32, #tpu.memory_space<vmem>>) dst(%dma_wait3A_335 : memref<256x128xf32, #tpu.memory_space<hbm>>)
      %add3A_336 = arith.constant 2 : i32
      %add3A_337 = arith.addi %add3A_293, %add3A_336 : i32
      %mul3A_338 = arith.constant 2 : i32
      %mul3A_339 = arith.muli %add3A_337, %mul3A_338 : i32
      %add3A_340 = arith.constant 0 : i32
      %add3A_341 = arith.addi %mul3A_339, %add3A_340 : i32
      %dma_start3A_342 = arith.constant 0 : i32
      %dma_start3A_343 = arith.constant 0 : i32
      %dma_start3A_344 = tpu.memref_slice %arg7[%dma_start3A_342, %dma_start3A_343] : memref<256x128xf32, #tpu.memory_space<vmem>> -> memref<128x128xf32, #tpu.memory_space<vmem>>
      %dma_start3A_345 = arith.constant 0 : i32
      %dma_start3A_346 = tpu.memref_slice %arg5[%add3A_341, %dma_start3A_345] : memref<200x128xi32, #tpu.memory_space<vmem>> -> memref<1x128xi32, #tpu.memory_space<vmem>>
      %dma_start3A_347 = tpu.memref_squeeze %dma_start3A_346 : memref<1x128xi32, #tpu.memory_space<vmem>> -> memref<128xi32, #tpu.memory_space<vmem>>
      %dma_start3A_348 = arith.constant 0 : i32
      %dma_start3A_349 = arith.constant 0 : i32
      %dma_start3A_350 = tpu.memref_slice %arg2[%dma_start3A_348, %dma_start3A_349] : memref<100000x128xf32, #tpu.memory_space<hbm>> -> memref<100000x128xf32, #tpu.memory_space<hbm>>
      tpu.enqueue_indirect_dma source(%dma_start3A_350 : memref<100000x128xf32, #tpu.memory_space<hbm>>) target(%dma_start3A_344 : memref<128x128xf32, #tpu.memory_space<vmem>>) offsets(%dma_start3A_347 : memref<128xi32, #tpu.memory_space<vmem>>) semaphore(%arg10 : memref<!tpu.dma_semaphore, #tpu.memory_space<semaphore_mem>>)
      %mul3A_351 = arith.constant 2 : i32
      %mul3A_352 = arith.muli %add3A_337, %mul3A_351 : i32
      %add3A_353 = arith.constant 1 : i32
      %add3A_354 = arith.addi %mul3A_352, %add3A_353 : i32
      %dma_start3A_355 = arith.constant 128 : i32
      %dma_start3A_356 = arith.constant 0 : i32
      %dma_start3A_357 = tpu.memref_slice %arg7[%dma_start3A_355, %dma_start3A_356] : memref<256x128xf32, #tpu.memory_space<vmem>> -> memref<128x128xf32, #tpu.memory_space<vmem>>
      %dma_start3A_358 = arith.constant 0 : i32
      %dma_start3A_359 = tpu.memref_slice %arg5[%add3A_354, %dma_start3A_358] : memref<200x128xi32, #tpu.memory_space<vmem>> -> memref<1x128xi32, #tpu.memory_space<vmem>>
      %dma_start3A_360 = tpu.memref_squeeze %dma_start3A_359 : memref<1x128xi32, #tpu.memory_space<vmem>> -> memref<128xi32, #tpu.memory_space<vmem>>
      %dma_start3A_361 = arith.constant 0 : i32
      %dma_start3A_362 = arith.constant 0 : i32
      %dma_start3A_363 = tpu.memref_slice %arg2[%dma_start3A_361, %dma_start3A_362] : memref<100000x128xf32, #tpu.memory_space<hbm>> -> memref<100000x128xf32, #tpu.memory_space<hbm>>
      tpu.enqueue_indirect_dma source(%dma_start3A_363 : memref<100000x128xf32, #tpu.memory_space<hbm>>) target(%dma_start3A_357 : memref<128x128xf32, #tpu.memory_space<vmem>>) offsets(%dma_start3A_360 : memref<128xi32, #tpu.memory_space<vmem>>) semaphore(%arg10 : memref<!tpu.dma_semaphore, #tpu.memory_space<semaphore_mem>>)
      %add3A_364 = arith.constant 2 : i32
      %add3A_365 = arith.addi %add3A_220, %add3A_364 : i32
      %mul3A_366 = arith.constant 2 : i32
      %mul3A_367 = arith.muli %add3A_365, %mul3A_366 : i32
      %add3A_368 = arith.constant 0 : i32
      %add3A_369 = arith.addi %mul3A_367, %add3A_368 : i32
      %dma_wait3A_370 = arith.constant 0 : i32
      %dma_wait3A_371 = arith.constant 0 : i32
      %dma_wait3A_372 = tpu.memref_slice %arg6[%dma_wait3A_370, %dma_wait3A_371] : memref<256x128xf32, #tpu.memory_space<vmem>> -> memref<128x128xf32, #tpu.memory_space<vmem>>
      %dma_wait3A_373 = arith.constant 0 : i32
      %dma_wait3A_374 = tpu.memref_slice %arg5[%add3A_369, %dma_wait3A_373] : memref<200x128xi32, #tpu.memory_space<vmem>> -> memref<1x128xi32, #tpu.memory_space<vmem>>
      %dma_wait3A_375 = tpu.memref_squeeze %dma_wait3A_374 : memref<1x128xi32, #tpu.memory_space<vmem>> -> memref<128xi32, #tpu.memory_space<vmem>>
      %dma_wait3A_376 = arith.constant 0 : i32
      %dma_wait3A_377 = arith.constant 0 : i32
      %dma_wait3A_378 = tpu.memref_slice %arg2[%dma_wait3A_376, %dma_wait3A_377] : memref<100000x128xf32, #tpu.memory_space<hbm>> -> memref<100000x128xf32, #tpu.memory_space<hbm>>
      tpu.wait_indirect_dma semaphore(%arg9 : memref<!tpu.dma_semaphore, #tpu.memory_space<semaphore_mem>>) src(%dma_wait3A_378 : memref<100000x128xf32, #tpu.memory_space<hbm>>) dst(%dma_wait3A_372 : memref<128x128xf32, #tpu.memory_space<vmem>>)
      %mul3A_379 = arith.constant 2 : i32
      %mul3A_380 = arith.muli %add3A_365, %mul3A_379 : i32
      %add3A_381 = arith.constant 1 : i32
      %add3A_382 = arith.addi %mul3A_380, %add3A_381 : i32
      %dma_wait3A_383 = arith.constant 128 : i32
      %dma_wait3A_384 = arith.constant 0 : i32
      %dma_wait3A_385 = tpu.memref_slice %arg6[%dma_wait3A_383, %dma_wait3A_384] : memref<256x128xf32, #tpu.memory_space<vmem>> -> memref<128x128xf32, #tpu.memory_space<vmem>>
      %dma_wait3A_386 = arith.constant 0 : i32
      %dma_wait3A_387 = tpu.memref_slice %arg5[%add3A_382, %dma_wait3A_386] : memref<200x128xi32, #tpu.memory_space<vmem>> -> memref<1x128xi32, #tpu.memory_space<vmem>>
      %dma_wait3A_388 = tpu.memref_squeeze %dma_wait3A_387 : memref<1x128xi32, #tpu.memory_space<vmem>> -> memref<128xi32, #tpu.memory_space<vmem>>
      %dma_wait3A_389 = arith.constant 0 : i32
      %dma_wait3A_390 = arith.constant 0 : i32
      %dma_wait3A_391 = tpu.memref_slice %arg2[%dma_wait3A_389, %dma_wait3A_390] : memref<100000x128xf32, #tpu.memory_space<hbm>> -> memref<100000x128xf32, #tpu.memory_space<hbm>>
      tpu.wait_indirect_dma semaphore(%arg9 : memref<!tpu.dma_semaphore, #tpu.memory_space<semaphore_mem>>) src(%dma_wait3A_391 : memref<100000x128xf32, #tpu.memory_space<hbm>>) dst(%dma_wait3A_385 : memref<128x128xf32, #tpu.memory_space<vmem>>)
      %mul3A_392 = arith.constant 256 : i32
      %mul3A_393 = arith.muli %add3A_365, %mul3A_392 : i32
      %add3A_394 = arith.addi %mul3A_2, %mul3A_393 : i32
      %dma_start3A_395 = arith.constant 0 : i32
      %dma_start3A_396 = tpu.memref_slice %arg4[%add3A_394, %dma_start3A_395] : memref<819200x128xf32, #tpu.memory_space<hbm>> -> memref<256x128xf32, #tpu.memory_space<hbm>>
      %dma_start3A_397 = arith.constant 0 : i32
      %dma_start3A_398 = tpu.memref_slice %arg4[%add3A_394, %dma_start3A_397] : memref<819200x128xf32, #tpu.memory_space<hbm>> -> memref<256x128xf32, #tpu.memory_space<hbm>>
      tpu.enqueue_dma source(%arg6 : memref<256x128xf32, #tpu.memory_space<vmem>>) target(%dma_start3A_398 : memref<256x128xf32, #tpu.memory_space<hbm>>) target_semaphore(%arg12 : memref<!tpu.dma_semaphore, #tpu.memory_space<semaphore_mem>>)
      %sub3A_399 = arith.constant 1 : i32
      %sub3A_400 = arith.subi %add3A_365, %sub3A_399 : i32
      %mul3A_401 = arith.constant 256 : i32
      %mul3A_402 = arith.muli %sub3A_400, %mul3A_401 : i32
      %add3A_403 = arith.addi %mul3A_2, %mul3A_402 : i32
      %dma_wait3A_404 = arith.constant 0 : i32
      %dma_wait3A_405 = tpu.memref_slice %arg4[%add3A_403, %dma_wait3A_404] : memref<819200x128xf32, #tpu.memory_space<hbm>> -> memref<256x128xf32, #tpu.memory_space<hbm>>
      %dma_wait3A_406 = arith.constant 0 : i32
      %dma_wait3A_407 = tpu.memref_slice %arg4[%add3A_403, %dma_wait3A_406] : memref<819200x128xf32, #tpu.memory_space<hbm>> -> memref<256x128xf32, #tpu.memory_space<hbm>>
      tpu.wait_dma2 semaphore(%arg14 : memref<!tpu.dma_semaphore, #tpu.memory_space<semaphore_mem>>) src(%arg8 : memref<256x128xf32, #tpu.memory_space<vmem>>) dst(%dma_wait3A_407 : memref<256x128xf32, #tpu.memory_space<hbm>>)
      %add3A_408 = arith.constant 2 : i32
      %add3A_409 = arith.addi %add3A_365, %add3A_408 : i32
      %mul3A_410 = arith.constant 2 : i32
      %mul3A_411 = arith.muli %add3A_409, %mul3A_410 : i32
      %add3A_412 = arith.constant 0 : i32
      %add3A_413 = arith.addi %mul3A_411, %add3A_412 : i32
      %dma_start3A_414 = arith.constant 0 : i32
      %dma_start3A_415 = arith.constant 0 : i32
      %dma_start3A_416 = tpu.memref_slice %arg8[%dma_start3A_414, %dma_start3A_415] : memref<256x128xf32, #tpu.memory_space<vmem>> -> memref<128x128xf32, #tpu.memory_space<vmem>>
      %dma_start3A_417 = arith.constant 0 : i32
      %dma_start3A_418 = tpu.memref_slice %arg5[%add3A_413, %dma_start3A_417] : memref<200x128xi32, #tpu.memory_space<vmem>> -> memref<1x128xi32, #tpu.memory_space<vmem>>
      %dma_start3A_419 = tpu.memref_squeeze %dma_start3A_418 : memref<1x128xi32, #tpu.memory_space<vmem>> -> memref<128xi32, #tpu.memory_space<vmem>>
      %dma_start3A_420 = arith.constant 0 : i32
      %dma_start3A_421 = arith.constant 0 : i32
      %dma_start3A_422 = tpu.memref_slice %arg2[%dma_start3A_420, %dma_start3A_421] : memref<100000x128xf32, #tpu.memory_space<hbm>> -> memref<100000x128xf32, #tpu.memory_space<hbm>>
      tpu.enqueue_indirect_dma source(%dma_start3A_422 : memref<100000x128xf32, #tpu.memory_space<hbm>>) target(%dma_start3A_416 : memref<128x128xf32, #tpu.memory_space<vmem>>) offsets(%dma_start3A_419 : memref<128xi32, #tpu.memory_space<vmem>>) semaphore(%arg11 : memref<!tpu.dma_semaphore, #tpu.memory_space<semaphore_mem>>)
      %mul3A_423 = arith.constant 2 : i32
      %mul3A_424 = arith.muli %add3A_409, %mul3A_423 : i32
      %add3A_425 = arith.constant 1 : i32
      %add3A_426 = arith.addi %mul3A_424, %add3A_425 : i32
      %dma_start3A_427 = arith.constant 128 : i32
      %dma_start3A_428 = arith.constant 0 : i32
      %dma_start3A_429 = tpu.memref_slice %arg8[%dma_start3A_427, %dma_start3A_428] : memref<256x128xf32, #tpu.memory_space<vmem>> -> memref<128x128xf32, #tpu.memory_space<vmem>>
      %dma_start3A_430 = arith.constant 0 : i32
      %dma_start3A_431 = tpu.memref_slice %arg5[%add3A_426, %dma_start3A_430] : memref<200x128xi32, #tpu.memory_space<vmem>> -> memref<1x128xi32, #tpu.memory_space<vmem>>
      %dma_start3A_432 = tpu.memref_squeeze %dma_start3A_431 : memref<1x128xi32, #tpu.memory_space<vmem>> -> memref<128xi32, #tpu.memory_space<vmem>>
      %dma_start3A_433 = arith.constant 0 : i32
      %dma_start3A_434 = arith.constant 0 : i32
      %dma_start3A_435 = tpu.memref_slice %arg2[%dma_start3A_433, %dma_start3A_434] : memref<100000x128xf32, #tpu.memory_space<hbm>> -> memref<100000x128xf32, #tpu.memory_space<hbm>>
      tpu.enqueue_indirect_dma source(%dma_start3A_435 : memref<100000x128xf32, #tpu.memory_space<hbm>>) target(%dma_start3A_429 : memref<128x128xf32, #tpu.memory_space<vmem>>) offsets(%dma_start3A_432 : memref<128xi32, #tpu.memory_space<vmem>>) semaphore(%arg11 : memref<!tpu.dma_semaphore, #tpu.memory_space<semaphore_mem>>)
    }
    %scan3A_93 = arith.constant 32 : i32
    %dma_wait3A_94 = arith.constant 194 : i32
    %dma_wait3A_95 = arith.constant 0 : i32
    %dma_wait3A_96 = arith.constant 0 : i32
    %dma_wait3A_97 = tpu.memref_slice %arg7[%dma_wait3A_95, %dma_wait3A_96] : memref<256x128xf32, #tpu.memory_space<vmem>> -> memref<128x128xf32, #tpu.memory_space<vmem>>
    %dma_wait3A_98 = arith.constant 0 : i32
    %dma_wait3A_99 = tpu.memref_slice %arg5[%dma_wait3A_94, %dma_wait3A_98] : memref<200x128xi32, #tpu.memory_space<vmem>> -> memref<1x128xi32, #tpu.memory_space<vmem>>
    %dma_wait3A_100 = tpu.memref_squeeze %dma_wait3A_99 : memref<1x128xi32, #tpu.memory_space<vmem>> -> memref<128xi32, #tpu.memory_space<vmem>>
    %dma_wait3A_101 = arith.constant 0 : i32
    %dma_wait3A_102 = arith.constant 0 : i32
    %dma_wait3A_103 = tpu.memref_slice %arg2[%dma_wait3A_101, %dma_wait3A_102] : memref<100000x128xf32, #tpu.memory_space<hbm>> -> memref<100000x128xf32, #tpu.memory_space<hbm>>
    tpu.wait_indirect_dma semaphore(%arg10 : memref<!tpu.dma_semaphore, #tpu.memory_space<semaphore_mem>>) src(%dma_wait3A_103 : memref<100000x128xf32, #tpu.memory_space<hbm>>) dst(%dma_wait3A_97 : memref<128x128xf32, #tpu.memory_space<vmem>>)
    %dma_wait3A_104 = arith.constant 195 : i32
    %dma_wait3A_105 = arith.constant 128 : i32
    %dma_wait3A_106 = arith.constant 0 : i32
    %dma_wait3A_107 = tpu.memref_slice %arg7[%dma_wait3A_105, %dma_wait3A_106] : memref<256x128xf32, #tpu.memory_space<vmem>> -> memref<128x128xf32, #tpu.memory_space<vmem>>
    %dma_wait3A_108 = arith.constant 0 : i32
    %dma_wait3A_109 = tpu.memref_slice %arg5[%dma_wait3A_104, %dma_wait3A_108] : memref<200x128xi32, #tpu.memory_space<vmem>> -> memref<1x128xi32, #tpu.memory_space<vmem>>
    %dma_wait3A_110 = tpu.memref_squeeze %dma_wait3A_109 : memref<1x128xi32, #tpu.memory_space<vmem>> -> memref<128xi32, #tpu.memory_space<vmem>>
    %dma_wait3A_111 = arith.constant 0 : i32
    %dma_wait3A_112 = arith.constant 0 : i32
    %dma_wait3A_113 = tpu.memref_slice %arg2[%dma_wait3A_111, %dma_wait3A_112] : memref<100000x128xf32, #tpu.memory_space<hbm>> -> memref<100000x128xf32, #tpu.memory_space<hbm>>
    tpu.wait_indirect_dma semaphore(%arg10 : memref<!tpu.dma_semaphore, #tpu.memory_space<semaphore_mem>>) src(%dma_wait3A_113 : memref<100000x128xf32, #tpu.memory_space<hbm>>) dst(%dma_wait3A_107 : memref<128x128xf32, #tpu.memory_space<vmem>>)
    %add3A_114 = arith.constant 24832 : i32
    %add3A_115 = arith.addi %mul3A_2, %add3A_114 : i32
    %dma_start3A_116 = arith.constant 0 : i32
    %dma_start3A_117 = tpu.memref_slice %arg4[%add3A_115, %dma_start3A_116] : memref<819200x128xf32, #tpu.memory_space<hbm>> -> memref<256x128xf32, #tpu.memory_space<hbm>>
    %dma_start3A_118 = arith.constant 0 : i32
    %dma_start3A_119 = tpu.memref_slice %arg4[%add3A_115, %dma_start3A_118] : memref<819200x128xf32, #tpu.memory_space<hbm>> -> memref<256x128xf32, #tpu.memory_space<hbm>>
    tpu.enqueue_dma source(%arg7 : memref<256x128xf32, #tpu.memory_space<vmem>>) target(%dma_start3A_119 : memref<256x128xf32, #tpu.memory_space<hbm>>) target_semaphore(%arg13 : memref<!tpu.dma_semaphore, #tpu.memory_space<semaphore_mem>>)
    %add3A_120 = arith.constant 24576 : i32
    %add3A_121 = arith.addi %mul3A_2, %add3A_120 : i32
    %dma_wait3A_122 = arith.constant 0 : i32
    %dma_wait3A_123 = tpu.memref_slice %arg4[%add3A_121, %dma_wait3A_122] : memref<819200x128xf32, #tpu.memory_space<hbm>> -> memref<256x128xf32, #tpu.memory_space<hbm>>
    %dma_wait3A_124 = arith.constant 0 : i32
    %dma_wait3A_125 = tpu.memref_slice %arg4[%add3A_121, %dma_wait3A_124] : memref<819200x128xf32, #tpu.memory_space<hbm>> -> memref<256x128xf32, #tpu.memory_space<hbm>>
    tpu.wait_dma2 semaphore(%arg12 : memref<!tpu.dma_semaphore, #tpu.memory_space<semaphore_mem>>) src(%arg6 : memref<256x128xf32, #tpu.memory_space<vmem>>) dst(%dma_wait3A_125 : memref<256x128xf32, #tpu.memory_space<hbm>>)
    %dma_start3A_126 = arith.constant 198 : i32
    %dma_start3A_127 = arith.constant 0 : i32
    %dma_start3A_128 = arith.constant 0 : i32
    %dma_start3A_129 = tpu.memref_slice %arg6[%dma_start3A_127, %dma_start3A_128] : memref<256x128xf32, #tpu.memory_space<vmem>> -> memref<128x128xf32, #tpu.memory_space<vmem>>
    %dma_start3A_130 = arith.constant 0 : i32
    %dma_start3A_131 = tpu.memref_slice %arg5[%dma_start3A_126, %dma_start3A_130] : memref<200x128xi32, #tpu.memory_space<vmem>> -> memref<1x128xi32, #tpu.memory_space<vmem>>
    %dma_start3A_132 = tpu.memref_squeeze %dma_start3A_131 : memref<1x128xi32, #tpu.memory_space<vmem>> -> memref<128xi32, #tpu.memory_space<vmem>>
    %dma_start3A_133 = arith.constant 0 : i32
    %dma_start3A_134 = arith.constant 0 : i32
    %dma_start3A_135 = tpu.memref_slice %arg2[%dma_start3A_133, %dma_start3A_134] : memref<100000x128xf32, #tpu.memory_space<hbm>> -> memref<100000x128xf32, #tpu.memory_space<hbm>>
    tpu.enqueue_indirect_dma source(%dma_start3A_135 : memref<100000x128xf32, #tpu.memory_space<hbm>>) target(%dma_start3A_129 : memref<128x128xf32, #tpu.memory_space<vmem>>) offsets(%dma_start3A_132 : memref<128xi32, #tpu.memory_space<vmem>>) semaphore(%arg9 : memref<!tpu.dma_semaphore, #tpu.memory_space<semaphore_mem>>)
    %dma_start3A_136 = arith.constant 199 : i32
    %dma_start3A_137 = arith.constant 128 : i32
    %dma_start3A_138 = arith.constant 0 : i32
    %dma_start3A_139 = tpu.memref_slice %arg6[%dma_start3A_137, %dma_start3A_138] : memref<256x128xf32, #tpu.memory_space<vmem>> -> memref<128x128xf32, #tpu.memory_space<vmem>>
    %dma_start3A_140 = arith.constant 0 : i32
    %dma_start3A_141 = tpu.memref_slice %arg5[%dma_start3A_136, %dma_start3A_140] : memref<200x128xi32, #tpu.memory_space<vmem>> -> memref<1x128xi32, #tpu.memory_space<vmem>>
    %dma_start3A_142 = tpu.memref_squeeze %dma_start3A_141 : memref<1x128xi32, #tpu.memory_space<vmem>> -> memref<128xi32, #tpu.memory_space<vmem>>
    %dma_start3A_143 = arith.constant 0 : i32
    %dma_start3A_144 = arith.constant 0 : i32
    %dma_start3A_145 = tpu.memref_slice %arg2[%dma_start3A_143, %dma_start3A_144] : memref<100000x128xf32, #tpu.memory_space<hbm>> -> memref<100000x128xf32, #tpu.memory_space<hbm>>
    tpu.enqueue_indirect_dma source(%dma_start3A_145 : memref<100000x128xf32, #tpu.memory_space<hbm>>) target(%dma_start3A_139 : memref<128x128xf32, #tpu.memory_space<vmem>>) offsets(%dma_start3A_142 : memref<128xi32, #tpu.memory_space<vmem>>) semaphore(%arg9 : memref<!tpu.dma_semaphore, #tpu.memory_space<semaphore_mem>>)
    %dma_wait3A_146 = arith.constant 196 : i32
    %dma_wait3A_147 = arith.constant 0 : i32
    %dma_wait3A_148 = arith.constant 0 : i32
    %dma_wait3A_149 = tpu.memref_slice %arg8[%dma_wait3A_147, %dma_wait3A_148] : memref<256x128xf32, #tpu.memory_space<vmem>> -> memref<128x128xf32, #tpu.memory_space<vmem>>
    %dma_wait3A_150 = arith.constant 0 : i32
    %dma_wait3A_151 = tpu.memref_slice %arg5[%dma_wait3A_146, %dma_wait3A_150] : memref<200x128xi32, #tpu.memory_space<vmem>> -> memref<1x128xi32, #tpu.memory_space<vmem>>
    %dma_wait3A_152 = tpu.memref_squeeze %dma_wait3A_151 : memref<1x128xi32, #tpu.memory_space<vmem>> -> memref<128xi32, #tpu.memory_space<vmem>>
    %dma_wait3A_153 = arith.constant 0 : i32
    %dma_wait3A_154 = arith.constant 0 : i32
    %dma_wait3A_155 = tpu.memref_slice %arg2[%dma_wait3A_153, %dma_wait3A_154] : memref<100000x128xf32, #tpu.memory_space<hbm>> -> memref<100000x128xf32, #tpu.memory_space<hbm>>
    tpu.wait_indirect_dma semaphore(%arg11 : memref<!tpu.dma_semaphore, #tpu.memory_space<semaphore_mem>>) src(%dma_wait3A_155 : memref<100000x128xf32, #tpu.memory_space<hbm>>) dst(%dma_wait3A_149 : memref<128x128xf32, #tpu.memory_space<vmem>>)
    %dma_wait3A_156 = arith.constant 197 : i32
    %dma_wait3A_157 = arith.constant 128 : i32
    %dma_wait3A_158 = arith.constant 0 : i32
    %dma_wait3A_159 = tpu.memref_slice %arg8[%dma_wait3A_157, %dma_wait3A_158] : memref<256x128xf32, #tpu.memory_space<vmem>> -> memref<128x128xf32, #tpu.memory_space<vmem>>
    %dma_wait3A_160 = arith.constant 0 : i32
    %dma_wait3A_161 = tpu.memref_slice %arg5[%dma_wait3A_156, %dma_wait3A_160] : memref<200x128xi32, #tpu.memory_space<vmem>> -> memref<1x128xi32, #tpu.memory_space<vmem>>
    %dma_wait3A_162 = tpu.memref_squeeze %dma_wait3A_161 : memref<1x128xi32, #tpu.memory_space<vmem>> -> memref<128xi32, #tpu.memory_space<vmem>>
    %dma_wait3A_163 = arith.constant 0 : i32
    %dma_wait3A_164 = arith.constant 0 : i32
    %dma_wait3A_165 = tpu.memref_slice %arg2[%dma_wait3A_163, %dma_wait3A_164] : memref<100000x128xf32, #tpu.memory_space<hbm>> -> memref<100000x128xf32, #tpu.memory_space<hbm>>
    tpu.wait_indirect_dma semaphore(%arg11 : memref<!tpu.dma_semaphore, #tpu.memory_space<semaphore_mem>>) src(%dma_wait3A_165 : memref<100000x128xf32, #tpu.memory_space<hbm>>) dst(%dma_wait3A_159 : memref<128x128xf32, #tpu.memory_space<vmem>>)
    %add3A_166 = arith.constant 25088 : i32
    %add3A_167 = arith.addi %mul3A_2, %add3A_166 : i32
    %dma_start3A_168 = arith.constant 0 : i32
    %dma_start3A_169 = tpu.memref_slice %arg4[%add3A_167, %dma_start3A_168] : memref<819200x128xf32, #tpu.memory_space<hbm>> -> memref<256x128xf32, #tpu.memory_space<hbm>>
    %dma_start3A_170 = arith.constant 0 : i32
    %dma_start3A_171 = tpu.memref_slice %arg4[%add3A_167, %dma_start3A_170] : memref<819200x128xf32, #tpu.memory_space<hbm>> -> memref<256x128xf32, #tpu.memory_space<hbm>>
    tpu.enqueue_dma source(%arg8 : memref<256x128xf32, #tpu.memory_space<vmem>>) target(%dma_start3A_171 : memref<256x128xf32, #tpu.memory_space<hbm>>) target_semaphore(%arg14 : memref<!tpu.dma_semaphore, #tpu.memory_space<semaphore_mem>>)
    %add3A_172 = arith.constant 24832 : i32
    %add3A_173 = arith.addi %mul3A_2, %add3A_172 : i32
    %dma_wait3A_174 = arith.constant 0 : i32
    %dma_wait3A_175 = tpu.memref_slice %arg4[%add3A_173, %dma_wait3A_174] : memref<819200x128xf32, #tpu.memory_space<hbm>> -> memref<256x128xf32, #tpu.memory_space<hbm>>
    %dma_wait3A_176 = arith.constant 0 : i32
    %dma_wait3A_177 = tpu.memref_slice %arg4[%add3A_173, %dma_wait3A_176] : memref<819200x128xf32, #tpu.memory_space<hbm>> -> memref<256x128xf32, #tpu.memory_space<hbm>>
    tpu.wait_dma2 semaphore(%arg13 : memref<!tpu.dma_semaphore, #tpu.memory_space<semaphore_mem>>) src(%arg7 : memref<256x128xf32, #tpu.memory_space<vmem>>) dst(%dma_wait3A_177 : memref<256x128xf32, #tpu.memory_space<hbm>>)
    %dma_wait3A_178 = arith.constant 198 : i32
    %dma_wait3A_179 = arith.constant 0 : i32
    %dma_wait3A_180 = arith.constant 0 : i32
    %dma_wait3A_181 = tpu.memref_slice %arg6[%dma_wait3A_179, %dma_wait3A_180] : memref<256x128xf32, #tpu.memory_space<vmem>> -> memref<128x128xf32, #tpu.memory_space<vmem>>
    %dma_wait3A_182 = arith.constant 0 : i32
    %dma_wait3A_183 = tpu.memref_slice %arg5[%dma_wait3A_178, %dma_wait3A_182] : memref<200x128xi32, #tpu.memory_space<vmem>> -> memref<1x128xi32, #tpu.memory_space<vmem>>
    %dma_wait3A_184 = tpu.memref_squeeze %dma_wait3A_183 : memref<1x128xi32, #tpu.memory_space<vmem>> -> memref<128xi32, #tpu.memory_space<vmem>>
    %dma_wait3A_185 = arith.constant 0 : i32
    %dma_wait3A_186 = arith.constant 0 : i32
    %dma_wait3A_187 = tpu.memref_slice %arg2[%dma_wait3A_185, %dma_wait3A_186] : memref<100000x128xf32, #tpu.memory_space<hbm>> -> memref<100000x128xf32, #tpu.memory_space<hbm>>
    tpu.wait_indirect_dma semaphore(%arg9 : memref<!tpu.dma_semaphore, #tpu.memory_space<semaphore_mem>>) src(%dma_wait3A_187 : memref<100000x128xf32, #tpu.memory_space<hbm>>) dst(%dma_wait3A_181 : memref<128x128xf32, #tpu.memory_space<vmem>>)
    %dma_wait3A_188 = arith.constant 199 : i32
    %dma_wait3A_189 = arith.constant 128 : i32
    %dma_wait3A_190 = arith.constant 0 : i32
    %dma_wait3A_191 = tpu.memref_slice %arg6[%dma_wait3A_189, %dma_wait3A_190] : memref<256x128xf32, #tpu.memory_space<vmem>> -> memref<128x128xf32, #tpu.memory_space<vmem>>
    %dma_wait3A_192 = arith.constant 0 : i32
    %dma_wait3A_193 = tpu.memref_slice %arg5[%dma_wait3A_188, %dma_wait3A_192] : memref<200x128xi32, #tpu.memory_space<vmem>> -> memref<1x128xi32, #tpu.memory_space<vmem>>
    %dma_wait3A_194 = tpu.memref_squeeze %dma_wait3A_193 : memref<1x128xi32, #tpu.memory_space<vmem>> -> memref<128xi32, #tpu.memory_space<vmem>>
    %dma_wait3A_195 = arith.constant 0 : i32
    %dma_wait3A_196 = arith.constant 0 : i32
    %dma_wait3A_197 = tpu.memref_slice %arg2[%dma_wait3A_195, %dma_wait3A_196] : memref<100000x128xf32, #tpu.memory_space<hbm>> -> memref<100000x128xf32, #tpu.memory_space<hbm>>
    tpu.wait_indirect_dma semaphore(%arg9 : memref<!tpu.dma_semaphore, #tpu.memory_space<semaphore_mem>>) src(%dma_wait3A_197 : memref<100000x128xf32, #tpu.memory_space<hbm>>) dst(%dma_wait3A_191 : memref<128x128xf32, #tpu.memory_space<vmem>>)
    %add3A_198 = arith.constant 25344 : i32
    %add3A_199 = arith.addi %mul3A_2, %add3A_198 : i32
    %dma_start3A_200 = arith.constant 0 : i32
    %dma_start3A_201 = tpu.memref_slice %arg4[%add3A_199, %dma_start3A_200] : memref<819200x128xf32, #tpu.memory_space<hbm>> -> memref<256x128xf32, #tpu.memory_space<hbm>>
    %dma_start3A_202 = arith.constant 0 : i32
    %dma_start3A_203 = tpu.memref_slice %arg4[%add3A_199, %dma_start3A_202] : memref<819200x128xf32, #tpu.memory_space<hbm>> -> memref<256x128xf32, #tpu.memory_space<hbm>>
    tpu.enqueue_dma source(%arg6 : memref<256x128xf32, #tpu.memory_space<vmem>>) target(%dma_start3A_203 : memref<256x128xf32, #tpu.memory_space<hbm>>) target_semaphore(%arg12 : memref<!tpu.dma_semaphore, #tpu.memory_space<semaphore_mem>>)
    %add3A_204 = arith.constant 25088 : i32
    %add3A_205 = arith.addi %mul3A_2, %add3A_204 : i32
    %dma_wait3A_206 = arith.constant 0 : i32
    %dma_wait3A_207 = tpu.memref_slice %arg4[%add3A_205, %dma_wait3A_206] : memref<819200x128xf32, #tpu.memory_space<hbm>> -> memref<256x128xf32, #tpu.memory_space<hbm>>
    %dma_wait3A_208 = arith.constant 0 : i32
    %dma_wait3A_209 = tpu.memref_slice %arg4[%add3A_205, %dma_wait3A_208] : memref<819200x128xf32, #tpu.memory_space<hbm>> -> memref<256x128xf32, #tpu.memory_space<hbm>>
    tpu.wait_dma2 semaphore(%arg14 : memref<!tpu.dma_semaphore, #tpu.memory_space<semaphore_mem>>) src(%arg8 : memref<256x128xf32, #tpu.memory_space<vmem>>) dst(%dma_wait3A_209 : memref<256x128xf32, #tpu.memory_space<hbm>>)
    %add3A_210 = arith.constant 25344 : i32
    %add3A_211 = arith.addi %mul3A_2, %add3A_210 : i32
    %dma_wait3A_212 = arith.constant 0 : i32
    %dma_wait3A_213 = tpu.memref_slice %arg4[%add3A_211, %dma_wait3A_212] : memref<819200x128xf32, #tpu.memory_space<hbm>> -> memref<256x128xf32, #tpu.memory_space<hbm>>
    %dma_wait3A_214 = arith.constant 0 : i32
    %dma_wait3A_215 = tpu.memref_slice %arg4[%add3A_211, %dma_wait3A_214] : memref<819200x128xf32, #tpu.memory_space<hbm>> -> memref<256x128xf32, #tpu.memory_space<hbm>>
    tpu.wait_dma2 semaphore(%arg12 : memref<!tpu.dma_semaphore, #tpu.memory_space<semaphore_mem>>) src(%arg6 : memref<256x128xf32, #tpu.memory_space<vmem>>) dst(%dma_wait3A_215 : memref<256x128xf32, #tpu.memory_space<hbm>>)
    return
  }
}

</mosaic_0001>

<sc_bundles>
// kernel: kernel.3.cloned.1.call-start
scs
__scs_entry_jumppad:
0x0: {  	(pc) =	sbr.rel $0x88, $3  }
0x1: {  	(tag) =	ssettag $0x0;
	lr =	simm.s32 $0x1  }
0x2: {  	[smem:$0x3F9F] =	sst lr;
	_ =	strace $0xD0000000  }
0x3: {  	_ = 	snop  }
0x4: {  	_ = 	snop  }
0x5: {  	_ = 	snop  }
0x6: {  	_ = 	snop  }
0x7: {  	_ = 	snop  }
__scs_overlays_trampoline_lowered:
0x8: {  	[smem:$0x3FAE] =	sst s0  }
0x9: {  	[smem:$0x3FAF] =	sst s1  }
0xa: {  	[smem:$0x3FB0] =	sst s2  }
0xb: {  	[smem:$0x3FB1] =	sst s3  }
0xc: {  	[smem:$0x3FB2] =	sst s4  }
0xd: {  	[smem:$0x3FB3] =	sst s5  }
0xe: {  	[smem:$0x3FB4] =	sst s6  }
0xf: {  	[smem:$0x3FB5] =	sst s7  }
0x10: {  	[smem:$0x3FB6] =	sst s8  }
0x11: {  	[smem:$0x3FB7] =	sst s9;
	s0 =	simm.s32 @!p0 $0x0  }
0x12: {  	s1 =	sld [smem:$0x3F9D];
	s0 =	simm.s32 @p0 $0x1  }
0x13: {  	[smem:$0x3FB8] =	sst s0;
	s0 =	simm.s32 @!p1 $0x0  }
0x14: {  	s2 =	sld [smem:$0x3F9C];
	s0 =	simm.s32 @p1 $0x1  }
0x15: {  	[smem:$0x3FB9] =	sst s0;
	s0 =	simm.s32 @!p2 $0x0  }
0x16: {  	s3 =	sld [smem:$0x3FDB];
	s0 =	simm.s32 @p2 $0x1  }
0x17: {  	s4 =	simm.s32 $0x1BF5;
	[smem:$0x3FBB] =	sst s0  }
0x18: {  	s0 =	sld [smem:$0x3F9E];
	_ =	swait.ge [sflag:s4], $0x0  }
0x19: {  	s7 =	sld [smem:$0x3F9F]  }
0x1a: {  	s8 =	sadd.s32 $0xFFFFE003, lr  }
0x1b: {  	s9 =	sadd.s32 $0xFFFFFEF7, lr;
	s5 =	simm.s32 $0xFFFFFFFF;
	p2 =	slt.u32 s8, $0xFFFFF086  }
0x1c: {  	p1 =	slt.u32 s9, $0xF7A;
	s5 =	simm.s32 @!p2 $0x0  }
0x1d: {  	s5 =	simm.s32 @p1 $0x1;
	p0 =	seq.s32 s7, s2  }
0x1e: {  	s7 =	smul.u32 @!p0 $0xF7A, s2;
	p2 =	seq.s32 @!p0 s5, $0x0  }
0x1f: {  	s9 =	smul.u32 $0xF7A, s1;
	s8 =	simm.s32 @!p0 $0x1BF5;
	p2 =	por !p2, p0  }
0x20: {  	[sflag:s8] =	ssyncset.s32 @!p0 $0xFFFFF086;
	s6 =	sadd.s32 @!p0 s3, s7;
	s7 =	simm.s32 @!p0 $0x108  }
0x21: {  	s3 =	sadd.s32 s3, s9;
	s6 =	sadd.s32 @!p0 $0x88, s6;
	s7 =	simm.s32 @p2 $0x1082  }
0x22: {  	[simem:s7], [sflag:s8] =	dma.local @!p0 [hbm:s6], $0xF7A  }
0x23: {  	s9 =	sor.u32 $0xD0000000, s2;
	s6 =	simm.s32 $0x108;
	_ =	swait.ge @!p0 [sflag:s8], $0x0  }
0x24: {  	s3 =	sadd.s32 $0x88, s3;
	s6 =	simm.s32 @!p1 $0x1082;
	[sflag:s4] =	ssyncset.s32 $0xFFFFF086  }
0x25: {  	[simem:s6], [sflag:s4] =	dma.local [hbm:s3], $0xF7A  }
0x26: {  	[smem:$0x3F9F] =	sst s1;
	(tag) =	ssettag s2;
	_ =	strace s9  }
0x27: {  	s1 =	sld [smem:$0x3FAF]  }
0x28: {  	s2 =	sld [smem:$0x3FB0]  }
0x29: {  	s4 =	sld [smem:$0x3FB2]  }
0x2a: {  	p0 =	seq.s32 s5, $0x0;
	s5 =	sld [smem:$0x3FB3]  }
0x2b: {  	s6 =	sld [smem:$0x3FB4]  }
0x2c: {  	s7 =	sld [smem:$0x3FB5]  }
0x2d: {  	s3 =	simm.s32 $0x108;
	s8 =	sld [smem:$0x3FB6]  }
0x2e: {  	s3 =	simm.s32 @!p0 $0x1082;
	s9 =	sld [smem:$0x3FB7]  }
0x2f: {  	lr =	sadd.s32 s0, s3;
	s0 =	sld [smem:$0x3FAE]  }
0x30: {  	s3 =	sld [smem:$0x3FB1]  }
0x31: {  	[smem:$0x3FBA] =	sst s10  }
0x32: {  	s10 =	sld [smem:$0x3FB8];
	_ =	sdelay $0x3  }
0x33: {  	p0 =	seq.s32 s10, $0x1;
	s10 =	sld [smem:$0x3FBA];
	_ =	sdelay $0x3  }
0x34: {  	[smem:$0x3FBA] =	sst s10  }
0x35: {  	s10 =	sld [smem:$0x3FB9];
	_ =	sdelay $0x3  }
0x36: {  	p1 =	seq.s32 s10, $0x1;
	s10 =	sld [smem:$0x3FBA];
	_ =	sdelay $0x3  }
0x37: {  	[smem:$0x3FBA] =	sst s10  }
0x38: {  	s10 =	sld [smem:$0x3FBB]  }
0x39: {  	_ = 	snop;
	(pc) =	sbr.ind lr, $3  }
0x3a: {  	_ = 	snop  }
0x3b: {  	_ = 	snop  }
0x3c: {  	p2 =	seq.s32 s10, $0x1;
	s10 =	sld [smem:$0x3FBA]  }
0x3d: {  	_ =	shalt  }
0x3e: {  	_ =	shalt  }
0x3f: {  	_ =	shalt  }
0x40: {  	_ =	shalt  }
0x41: {  	_ =	shalt  }
0x42: {  	_ =	shalt  }
0x43: {  	_ =	shalt  }
0x44: {  	_ =	shalt  }
0x45: {  	_ =	shalt  }
0x46: {  	_ =	shalt  }
0x47: {  	_ =	shalt  }
0x48: {  	_ =	shalt  }
0x49: {  	_ =	shalt  }
0x4a: {  	_ =	shalt  }
0x4b: {  	_ =	shalt  }
0x4c: {  	_ =	shalt  }
0x4d: {  	_ =	shalt  }
0x4e: {  	_ =	shalt  }
0x4f: {  	_ =	shalt  }
0x50: {  	_ =	shalt  }
0x51: {  	_ =	shalt  }
0x52: {  	_ =	shalt  }
0x53: {  	_ =	shalt  }
0x54: {  	_ =	shalt  }
0x55: {  	_ =	shalt  }
0x56: {  	_ =	shalt  }
0x57: {  	_ =	shalt  }
0x58: {  	_ =	shalt  }
0x59: {  	_ =	shalt  }
0x5a: {  	_ =	shalt  }
0x5b: {  	_ =	shalt  }
0x5c: {  	_ =	shalt  }
0x5d: {  	_ =	shalt  }
0x5e: {  	_ =	shalt  }
0x5f: {  	_ =	shalt  }
0x60: {  	_ =	shalt  }
0x61: {  	_ =	shalt  }
0x62: {  	_ =	shalt  }
0x63: {  	_ =	shalt  }
0x64: {  	_ =	shalt  }
0x65: {  	_ =	shalt  }
0x66: {  	_ =	shalt  }
0x67: {  	_ =	shalt  }
0x68: {  	_ =	shalt  }
0x69: {  	_ =	shalt  }
0x6a: {  	_ =	shalt  }
0x6b: {  	_ =	shalt  }
0x6c: {  	_ =	shalt  }
0x6d: {  	_ =	shalt  }
0x6e: {  	_ =	shalt  }
0x6f: {  	_ =	shalt  }
0x70: {  	_ =	shalt  }
0x71: {  	_ =	shalt  }
0x72: {  	_ =	shalt  }
0x73: {  	_ =	shalt  }
0x74: {  	_ =	shalt  }
0x75: {  	_ =	shalt  }
0x76: {  	_ =	shalt  }
0x77: {  	_ =	shalt  }
0x78: {  	_ =	shalt  }
0x79: {  	_ =	shalt  }
0x7a: {  	_ =	shalt  }
0x7b: {  	_ =	shalt  }
0x7c: {  	_ =	shalt  }
0x7d: {  	_ =	shalt  }
0x7e: {  	_ =	shalt  }
0x7f: {  	_ =	shalt  }
0x80: {  	_ =	shalt  }
0x81: {  	_ =	shalt  }
0x82: {  	_ =	shalt  }
0x83: {  	_ =	shalt  }
0x84: {  	_ =	shalt  }
0x85: {  	_ =	shalt  }
0x86: {  	_ =	shalt  }
0x87: {  	_ =	shalt  }
.Lfunc_end0:
.L_simem_size_0:
called_computation_lowered:
.L_overlay_start_0:
0x88: {  	s2 =	sld [smem:$0x3FD9]  }
0x89: {  	s3 =	sld [smem:$0x3FFE];
	_ =	sdelay $0x1  }
0x8a: {  	s1 =	srdreg.scid  }
0x8b: {  	s0 =	sand.u32 $0x1, s1  }
0x8c: {  	s17 =	sshll.u32 s0, $0xA;
	s2 =	sadd.s32 s3, s2  }
0x8d: {  	s2 =	sadd.s32 s2, s17  }
0x8e: {  	[smem:$0x3FC6] =	sst s2  }
0x8f: {  	_ = 	snop  }
0x90: {  	s2 =	sld [smem:$0x3FC8]  }
0x91: {  	s18 =	sld [smem:$0x3FD0];
	(tm) =	ssettm $0x1  }
0x92: {  	s4 =	sld [smem:$0x3FFB];
	_ =	sdelay $0x3  }
0x93: {  	_ =	strace s4  }
0x94: {  	s4 =	sld [smem:$0x3FFC];
	_ =	sdelay $0x3  }
0x95: {  	_ =	strace s4  }
0x96: {  	s4 =	sld [smem:$0x3FFD];
	_ =	sdelay $0x3  }
0x97: {  	_ =	strace s4  }
0x98: {  	_ =	strace $0x8FFFFFFF  }
0x99: {  	s19 =	sld [smem:$0x3FDB];
	_ =	sdelay $0x1  }
0x9a: {  	s5 =	simm.s32 $_scs_section_size  }
0x9b: {  	s6 =	simm.s32 $_size__tile_overlayer_lowered;
	s7 =	simm.s32 $_tile_overlayer_lowered  }
0x9c: {  	s22 =	simm.s32 $0x1BFF;
	s21 =	sshll.u32 s7, $0x1;
	s4 =	sadd.s32 s5, s19  }
0x9d: {  	s8 =	simm.s32 $0x0;
	s20 =	sshll.u32 s6, $0x1;
	s6 =	sadd.s32 s21, s4  }
0x9e: {  	[timem:s8], [sflag:s22] =	dma.local [hbm:s6], s20  }
0x9f: {  	_ =	swait.ge [sflag:s22], s20  }
0xa0: {  	s5 =	ssub.s32 $0x0, s20;
	[sflag:s22] =	ssyncset.done $0x0  }
0xa1: {  	[sflag:s22] =	ssyncadd.s32 s5;
	_ =	sdelay $0x1  }
0xa2: {  	s23 =	simm.s32 $0x1B8B  }
0xa3: {  	_ =	swait.ge [sflag:s23], $0x1  }
0xa4: {  	[sflag:s23] =	ssyncset.done $0x0  }
0xa5: {  	s25 =	simm.s32 $0x1B8E;
	s24 =	sld [smem:$0x3FFE];
	[sflag:s23] =	ssyncadd.s32 $0xFFFFFFFF  }
0xa6: {  	s26 =	simm.s32 $execute0_lowered;
	[smem:$0x3FD2] =	sst s25  }
0xa7: {  	s6 =	sshll.u32 s26, $0x1;
	_ =	strace $0x80000046;
	[dreg:$0x1] =	wrdreg $0xFFFFFFFF  }
0xa8: {  	s28 =	simm.s32 $_size_execute0_lowered;
	s4 =	sadd.s32 s4, s6;
	[dreg:$0x0] =	wrdreg $0x0  }
0xa9: {  	s6 =	sshll.u32 s28, $0x1;
	[dreg:$0x2] =	wrdreg s4  }
0xaa: {  	[dreg:$0x3] =	wrdreg s6  }
0xab: {  	[dreg:$0x4] =	wrdreg $0xC0  }
0xac: {  	_ =	task [dreg:s8], $0x5FFFF  }
0xad: {  	[dreg:$0x1] =	wrdreg $0xFFFFFFFF  }
0xae: {  	[dreg:$0x0] =	wrdreg $0x60  }
0xaf: {  	[dreg:$0x2] =	wrdreg s2  }
0xb0: {  	[dreg:$0x3] =	wrdreg s24  }
0xb1: {  	[dreg:$0x4] =	wrdreg s18  }
0xb2: {  	[dreg:$0x5] =	wrdreg $0x9  }
0xb3: {  	_ =	task.clear_ibuf [dreg:s8], $0x6FFFF;
	_ =	strace $0x90000046  }
0xb4: {  	s29 =	simm.s32 $0x9;
	_ =	strace $0x80000048  }
0xb5: {  	_ =	swait.ge [sflag:s29], $0x1  }
0xb6: {  	[sflag:s29] =	ssyncadd.s32 $0xFFFFFFFF  }
0xb7: {  	_ =	strace $0x90000048  }
0xb8: {  	_ =	sfence  }
0xb9: {  	s30 =	sld [smem:$0x0];
	_ =	sdelay $0x2  }
0xba: {  	s31 =	sshll.u32 s1, $0xD;
	s1 =	sshrl.u32 s1, $0x2  }
0xbb: {  	s3 =	sand.u32 $0x4000, s31;
	s1 =	sadd.s32 s1, s30  }
0xbc: {  	s0 =	sor.u32 s3, s0;
	s1 =	sshll.u32 s1, $0x11  }
0xbd: {  	s0 =	sor.u32 s1, s0  }
0xbe: {  	s0 =	sadd.s32 $0x8F2B, s0  }
0xbf: {  	[sflag:s0] =	ssyncadd.remote.s32 $0x1  }
0xc0: {  	_ =	sfence.sel $0xFFFF  }
0xc1: {  	[dreg:$0x0] =	wrdreg $0xFFFFFFFF;
	(pc) =	sbr.abs _section_cstart, $3  }
0xc2: {  	[dreg:$0x1] =	wrdreg $0xFFFFFFFF  }
0xc3: {  	_ =	task.clear_ibuf [dreg:s8], $0x2FFFF;
	_ =	strace $0x9FFFFFFF  }
0xc4: {  	(tm) =	ssettm $0x7FFFFFFF  }
0xc5: {  	_ =	shalt  }
tec
execute0_lowered:
.L_overlay_start_1:
0x0: {  	(tag) =	ssettag $0x1  }
0x1: {  	s1 =	rddreg [dreg:$0x0]  }
0x2: {  	s0 =	srdreg.scid;
	s2 =	rddreg [dreg:$0x1]  }
0x3: {  	s12 =	stileid.u32;
	s11 =	rddreg [dreg:$0x2]  }
0x4: {  	s13 =	simm.s32 $0x80;
	s14 =	simm.s32 $0x6400;
	s15 =	simm.s32 $0xA400  }
0x5: {  	s17 =	simm.s32 $0xE400;
	s19 =	simm.s32 $0x12400;
	s22 =	smul.u32 $0x640000, s12  }
0x6: {  	s0 =	sand.u32 $0x1, s0;
	s3 =	sshll.u32 s12, $0x1;
	s12 =	smul.u32 $0xC8000, s12  }
0x7: {  	s20 =	simm.s32 $0x1;
	s28 =	simm.s32 $0x3;
	s24 =	smul.u32 $0x320000, s0  }
0x8: {  	s4 =	sor.u32 s0, s3;
	s6 =	ssub.s32 $0x2, s0;
	s0 =	smul.u32 $0x64000, s0  }
0x9: {  	s29 =	simm.s32 $0x5;
	s3 =	simm.s32 $0x0;
	s5 =	smul.u32 $0xC80, s4  }
0xa: {  	s30 =	simm.s32 $0x6;
	[smem:$0x7FF] =	sst s3;
	s7 =	smul.u32 $0x64000, s4  }
0xb: {  	s8 =	sshrl.u32 s6, $0x1;
	s9 =	smul.u32 $0x320000, s4;
	s25 =	sadd.s32 s12, s11  }
0xc: {  	s12 =	simm.s32 $0x7;
	_ =	strace $0x80000047;
	s10 =	ssub.s32 s6, s8  }
0xd: {  	s8 =	sadd.s32 s24, s22;
	s0 =	sadd.s32 s0, s25;
	s22 =	simm.s32 $0x16400  }
0xe: {  	s24 =	simm.s32 $0x1A400;
	s25 =	simm.s32 $0x2;
	s2 =	sadd.s32 s5, s2  }
0xf: {  	s23 =	sshrl.u32 s9, $0x3;
	s5 =	sadd.s32 s11, s7;
	s26 =	sor.u32 $0x18000, s8  }
0x10: {  	s9 =	smax.u32 s10, $0x1;
	s10 =	sadd.s32 $0x2000, s0;
	s0 =	simm.s32 $0x0  }
0x11: {  	s4 =	sadd.s32 $0x400, s2;
	s2 =	sadd.s32 s11, s23;
	s31 =	sshrl.u32 s26, $0x3  }
0x12: {  	s26 =	simm.s32 $0x4;
	s6 =	sadd.s32 $0x61000, s2;
	s7 =	sadd.s32 $0x62000, s2  }
0x13: {  	s8 =	sadd.s32 $0x63000, s2;
	s11 =	sadd.s32 s31, s11;
	s2 =	simm.s32 $0x6380  }
.LBB2_1:
0x14: {  	[tilespmem:s3], [sflag:$0x7] =	stream.linear.gather [hbm4b:s4+s3], $0x6400, $0x38;
	[tilespmem:$0x1E400] =	vst v63  }
0x15: {  	_ =	swait.ge [sflag:s12], $0x6400  }
0x16: {  	[sflag:s12] =	ssyncset.done $0x0  }
0x17: {  	[sflag:s12] =	ssyncadd.s32 $0xFFFF9C00  }
0x18: {  	[tilespmem:s14], [sflag:$0x1] =	stream.indirect.gather [hbm4b:s1+s13], $0x80, s3, s13, $0xb8;
	[tilespmem:$0x1E400] =	vst v63  }
0x19: {  	_ = 	snop  }
0x1a: {  	[tilespmem:s15], [sflag:$0x1] =	stream.indirect.gather [hbm4b:s1+s13], $0x80, s13, s13, $0xb8;
	[tilespmem:$0x1E400] =	vst v63  }
0x1b: {  	s16 =	simm.s32 $0x100  }
0x1c: {  	[tilespmem:s17], [sflag:$0x2] =	stream.indirect.gather [hbm4b:s1+s13], $0x80, s16, s13, $0xb8;
	[tilespmem:$0x1E400] =	vst v63  }
0x1d: {  	s31 =	simm.s32 $0x180  }
0x1e: {  	[tilespmem:s19], [sflag:$0x2] =	stream.indirect.gather [hbm4b:s1+s13], $0x80, s31, s13, $0xb8;
	[tilespmem:$0x1E400] =	vst v63  }
0x1f: {  	_ =	swait.ge [sflag:s20], $0x4000  }
0x20: {  	[sflag:s20] =	ssyncset.done $0x0  }
0x21: {  	[sflag:s20] =	ssyncadd.s32 $0xFFFFC000  }
0x22: {  	_ =	swait.ge [sflag:s20], $0x4000  }
0x23: {  	[sflag:s20] =	ssyncset.done $0x0  }
0x24: {  	[sflag:s20] =	ssyncadd.s32 $0xFFFFC000  }
0x25: {  	[hbm4b:s5+s3] =	stream.linear.scatter [tilespmem:s14], [sflag:$0x4], $0x8000, $0x38;
	[tilespmem:$0x1E400] =	vst v63  }
0x26: {  	s18 =	simm.s32 $0x200  }
0x27: {  	[tilespmem:s22], [sflag:$0x3] =	stream.indirect.gather [hbm4b:s1+s13], $0x80, s18, s13, $0xb8;
	[tilespmem:$0x1E400] =	vst v63  }
0x28: {  	s21 =	simm.s32 $0x280  }
0x29: {  	[tilespmem:s24], [sflag:$0x3] =	stream.indirect.gather [hbm4b:s1+s13], $0x80, s21, s13, $0xb8;
	[tilespmem:$0x1E400] =	vst v63  }
0x2a: {  	_ =	swait.ge [sflag:s25], $0x4000  }
0x2b: {  	[sflag:s25] =	ssyncset.done $0x0  }
0x2c: {  	[sflag:s25] =	ssyncadd.s32 $0xFFFFC000  }
0x2d: {  	_ =	swait.ge [sflag:s25], $0x4000  }
0x2e: {  	[sflag:s25] =	ssyncset.done $0x0  }
0x2f: {  	s23 =	sadd.s32 $0xFFFFF000, s10;
	[sflag:s25] =	ssyncadd.s32 $0xFFFFC000  }
0x30: {  	[hbm4b:s23+s3] =	stream.linear.scatter [tilespmem:s17], [sflag:$0x5], $0x8000, $0x38;
	[tilespmem:$0x1E400] =	vst v63  }
0x31: {  	_ =	swait.ge [sflag:s26], $0x8000  }
0x32: {  	[sflag:s26] =	ssyncset.done $0x0  }
0x33: {  	s31 =	simm.s32 $0x300;
	[sflag:s26] =	ssyncadd.s32 $0xFFFF8000  }
0x34: {  	[tilespmem:s14], [sflag:$0x1] =	stream.indirect.gather [hbm4b:s1+s13], $0x80, s31, s13, $0xb8;
	[tilespmem:$0x1E400] =	vst v63  }
0x35: {  	s18 =	simm.s32 $0x380  }
0x36: {  	[tilespmem:s15], [sflag:$0x1] =	stream.indirect.gather [hbm4b:s1+s13], $0x80, s18, s13, $0xb8;
	[tilespmem:$0x1E400] =	vst v63  }
0x37: {  	_ =	swait.ge [sflag:s28], $0x4000  }
0x38: {  	[sflag:s28] =	ssyncset.done $0x0  }
0x39: {  	[sflag:s28] =	ssyncadd.s32 $0xFFFFC000  }
0x3a: {  	_ =	swait.ge [sflag:s28], $0x4000  }
0x3b: {  	[sflag:s28] =	ssyncset.done $0x0  }
0x3c: {  	[sflag:s28] =	ssyncadd.s32 $0xFFFFC000  }
0x3d: {  	[hbm4b:s10+s3] =	stream.linear.scatter [tilespmem:s22], [sflag:$0x6], $0x8000, $0x38;
	[tilespmem:$0x1E400] =	vst v63  }
0x3e: {  	_ =	swait.ge [sflag:s29], $0x8000  }
0x3f: {  	[sflag:s29] =	ssyncset.done $0x0  }
0x40: {  	s21 =	simm.s32 $0x400;
	[sflag:s29] =	ssyncadd.s32 $0xFFFF8000  }
0x41: {  	[tilespmem:s17], [sflag:$0x2] =	stream.indirect.gather [hbm4b:s1+s13], $0x80, s21, s13, $0xb8;
	[tilespmem:$0x1E400] =	vst v63  }
0x42: {  	s23 =	simm.s32 $0x480  }
0x43: {  	[tilespmem:s19], [sflag:$0x2] =	stream.indirect.gather [hbm4b:s1+s13], $0x80, s23, s13, $0xb8;
	[tilespmem:$0x1E400] =	vst v63  }
0x44: {  	_ =	swait.ge [sflag:s20], $0x4000  }
0x45: {  	[sflag:s20] =	ssyncset.done $0x0  }
0x46: {  	[sflag:s20] =	ssyncadd.s32 $0xFFFFC000  }
0x47: {  	_ =	swait.ge [sflag:s20], $0x4000  }
0x48: {  	[sflag:s20] =	ssyncset.done $0x0  }
0x49: {  	[sflag:s20] =	ssyncadd.s32 $0xFFFFC000  }
0x4a: {  	[hbm4b:s11+s3] =	stream.linear.scatter [tilespmem:s14], [sflag:$0x4], $0x8000, $0x38;
	[tilespmem:$0x1E400] =	vst v63  }
0x4b: {  	s16 =	simm.s32 $0xC00;
	_ =	swait.ge [sflag:s30], $0x8000  }
0x4c: {  	s31 =	simm.s32 $0x500;
	s18 =	sadd.s32 $0x3000, s10;
	[sflag:s30] =	ssyncset.done $0x0  }
0x4d: {  	s21 =	sadd.s32 $0x3000, s11;
	s23 =	simm.s32 $0x580;
	[sflag:s30] =	ssyncadd.s32 $0xFFFF8000  }
0x4e: {  	[tilespmem:s22], [sflag:$0x3] =	stream.indirect.gather [hbm4b:s1+s13], $0x80, s31, s13, $0xb8;
	[tilespmem:$0x1E400] =	vst v63  }
.LBB2_2:
0x4f: {  	[tilespmem:s24], [sflag:$0x3] =	stream.indirect.gather [hbm4b:s1+s13], $0x80, s23, s13, $0xb8;
	[tilespmem:$0x1E400] =	vst v63  }
0x50: {  	s23 =	smov.u32 s16  }
0x51: {  	p0 =	sne.s32 s16, $0x17400;
	s16 =	sadd.s32 $0xC00, s16;
	_ =	swait.ge [sflag:s25], $0x4000  }
0x52: {  	[sflag:s25] =	ssyncset.done $0x0  }
0x53: {  	[sflag:s25] =	ssyncadd.s32 $0xFFFFC000  }
0x54: {  	_ =	swait.ge [sflag:s25], $0x4000  }
0x55: {  	[sflag:s25] =	ssyncset.done $0x0  }
0x56: {  	s31 =	sadd.s32 $0xFFFFF000, s18;
	[sflag:s25] =	ssyncadd.s32 $0xFFFFC000  }
0x57: {  	[hbm4b:s31+s3] =	stream.linear.scatter [tilespmem:s17], [sflag:$0x5], $0x8000, $0x38;
	[tilespmem:$0x1E400] =	vst v63  }
0x58: {  	_ =	swait.ge [sflag:s26], $0x8000  }
0x59: {  	s23 =	sshra.s32 s23, $0x2;
	[sflag:s26] =	ssyncset.done $0x0  }
0x5a: {  	s31 =	sadd.s32 $0x300, s23;
	[sflag:s26] =	ssyncadd.s32 $0xFFFF8000  }
0x5b: {  	[tilespmem:s14], [sflag:$0x1] =	stream.indirect.gather [hbm4b:s1+s13], $0x80, s31, s13, $0xb8;
	[tilespmem:$0x1E400] =	vst v63  }
0x5c: {  	s31 =	sadd.s32 $0x380, s23  }
0x5d: {  	[tilespmem:s15], [sflag:$0x1] =	stream.indirect.gather [hbm4b:s1+s13], $0x80, s31, s13, $0xb8;
	[tilespmem:$0x1E400] =	vst v63  }
0x5e: {  	_ =	swait.ge [sflag:s28], $0x4000  }
0x5f: {  	[sflag:s28] =	ssyncset.done $0x0  }
0x60: {  	[sflag:s28] =	ssyncadd.s32 $0xFFFFC000  }
0x61: {  	_ =	swait.ge [sflag:s28], $0x4000  }
0x62: {  	[sflag:s28] =	ssyncset.done $0x0  }
0x63: {  	[sflag:s28] =	ssyncadd.s32 $0xFFFFC000  }
0x64: {  	[hbm4b:s18+s3] =	stream.linear.scatter [tilespmem:s22], [sflag:$0x6], $0x8000, $0x38;
	[tilespmem:$0x1E400] =	vst v63  }
0x65: {  	_ =	swait.ge [sflag:s29], $0x8000  }
0x66: {  	[sflag:s29] =	ssyncset.done $0x0  }
0x67: {  	s31 =	sadd.s32 $0x400, s23;
	[sflag:s29] =	ssyncadd.s32 $0xFFFF8000  }
0x68: {  	[tilespmem:s17], [sflag:$0x2] =	stream.indirect.gather [hbm4b:s1+s13], $0x80, s31, s13, $0xb8;
	[tilespmem:$0x1E400] =	vst v63  }
0x69: {  	s31 =	sadd.s32 $0x480, s23  }
0x6a: {  	[tilespmem:s19], [sflag:$0x2] =	stream.indirect.gather [hbm4b:s1+s13], $0x80, s31, s13, $0xb8;
	[tilespmem:$0x1E400] =	vst v63  }
0x6b: {  	_ =	swait.ge [sflag:s20], $0x4000  }
0x6c: {  	[sflag:s20] =	ssyncset.done $0x0  }
0x6d: {  	[sflag:s20] =	ssyncadd.s32 $0xFFFFC000  }
0x6e: {  	_ =	swait.ge [sflag:s20], $0x4000  }
0x6f: {  	[sflag:s20] =	ssyncset.done $0x0  }
0x70: {  	[sflag:s20] =	ssyncadd.s32 $0xFFFFC000  }
0x71: {  	[hbm4b:s21+s3] =	stream.linear.scatter [tilespmem:s14], [sflag:$0x4], $0x8000, $0x38;
	[tilespmem:$0x1E400] =	vst v63  }
.Ltmp0:
0x72: {  	_ =	swait.ge [sflag:s30], $0x8000;
	(pc) =	sbr.rel @p0 .LBB2_2-.Ltmp0, $4  }
0x73: {  	[sflag:s30] =	ssyncset.done $0x0  }
0x74: {  	s31 =	sadd.s32 $0x500, s23;
	[sflag:s30] =	ssyncadd.s32 $0xFFFF8000  }
0x75: {  	[tilespmem:s22], [sflag:$0x3] =	stream.indirect.gather [hbm4b:s1+s13], $0x80, s31, s13, $0xb8;
	[tilespmem:$0x1E400] =	vst v63  }
0x76: {  	s18 =	sadd.s32 $0x3000, s18;
	s23 =	sadd.s32 $0x580, s23;
	s21 =	sadd.s32 $0x3000, s21  }
0x77: {  	[tilespmem:s24], [sflag:$0x3] =	stream.indirect.gather [hbm4b:s1+s13], $0x80, s23, s13, $0xb8;
	[tilespmem:$0x1E400] =	vst v63  }
0x78: {  	_ =	swait.ge [sflag:s25], $0x4000  }
0x79: {  	[sflag:s25] =	ssyncset.done $0x0  }
0x7a: {  	[sflag:s25] =	ssyncadd.s32 $0xFFFFC000  }
0x7b: {  	_ =	swait.ge [sflag:s25], $0x4000  }
0x7c: {  	[sflag:s25] =	ssyncset.done $0x0  }
0x7d: {  	[sflag:s25] =	ssyncadd.s32 $0xFFFFC000  }
0x7e: {  	[hbm4b:s6+s3] =	stream.linear.scatter [tilespmem:s17], [sflag:$0x5], $0x8000, $0x38;
	[tilespmem:$0x1E400] =	vst v63  }
0x7f: {  	_ =	swait.ge [sflag:s26], $0x8000  }
0x80: {  	[sflag:s26] =	ssyncset.done $0x0  }
0x81: {  	s16 =	simm.s32 $0x6300;
	[sflag:s26] =	ssyncadd.s32 $0xFFFF8000  }
0x82: {  	[tilespmem:s14], [sflag:$0x1] =	stream.indirect.gather [hbm4b:s1+s13], $0x80, s16, s13, $0xb8;
	[tilespmem:$0x1E400] =	vst v63  }
0x83: {  	_ = 	snop  }
0x84: {  	[tilespmem:s15], [sflag:$0x1] =	stream.indirect.gather [hbm4b:s1+s13], $0x80, s2, s13, $0xb8;
	[tilespmem:$0x1E400] =	vst v63  }
0x85: {  	_ =	swait.ge [sflag:s28], $0x4000  }
0x86: {  	[sflag:s28] =	ssyncset.done $0x0  }
0x87: {  	[sflag:s28] =	ssyncadd.s32 $0xFFFFC000  }
0x88: {  	_ =	swait.ge [sflag:s28], $0x4000  }
0x89: {  	[sflag:s28] =	ssyncset.done $0x0  }
0x8a: {  	[sflag:s28] =	ssyncadd.s32 $0xFFFFC000  }
0x8b: {  	[hbm4b:s7+s3] =	stream.linear.scatter [tilespmem:s22], [sflag:$0x6], $0x8000, $0x38;
	[tilespmem:$0x1E400] =	vst v63  }
0x8c: {  	_ =	swait.ge [sflag:s29], $0x8000  }
0x8d: {  	[sflag:s29] =	ssyncset.done $0x0  }
0x8e: {  	[sflag:s29] =	ssyncadd.s32 $0xFFFF8000  }
0x8f: {  	_ =	swait.ge [sflag:s20], $0x4000  }
0x90: {  	[sflag:s20] =	ssyncset.done $0x0  }
0x91: {  	[sflag:s20] =	ssyncadd.s32 $0xFFFFC000  }
0x92: {  	_ =	swait.ge [sflag:s20], $0x4000  }
0x93: {  	[sflag:s20] =	ssyncset.done $0x0  }
0x94: {  	s0 =	sadd.s32 $0x1, s0;
	[sflag:s20] =	ssyncadd.s32 $0xFFFFC000  }
0x95: {  	[hbm4b:s8+s3] =	stream.linear.scatter [tilespmem:s14], [sflag:$0x4], $0x8000, $0x38;
	[tilespmem:$0x1E400] =	vst v63  }
0x96: {  	p0 =	sne.s32 s0, s9;
	_ =	swait.ge [sflag:s30], $0x8000  }
.Ltmp1:
0x97: {  	[sflag:s30] =	ssyncset.done $0x0;
	(pc) =	sbr.rel @p0 .LBB2_1-.Ltmp1, $4  }
0x98: {  	[sflag:s30] =	ssyncadd.s32 $0xFFFF8000  }
0x99: {  	_ =	swait.ge [sflag:s26], $0x8000  }
0x9a: {  	[sflag:s26] =	ssyncset.done $0x0  }
0x9b: {  	[sflag:s26] =	ssyncadd.s32 $0xFFFF8000  }
0x9c: {  	_ =	sfence.sel $0x180000  }
0x9d: {  	[bflag:$0x0] =	sbarrier.arrive $0xFFFF  }
0x9e: {  	_ =	strace $0x90000047  }
0x9f: {  	s0 =	stileid.u32;
	[bflag:$0x2] =	sbarrier.arrive $0xFFFF  }
0xa0: {  	p0 =	sne.s32 s0, $0x0;
	s0 =	rddreg [dreg:$0x3]  }
0xa1: {  	s0 =	sadd.s32 @!p0 $0x100000, s0  }
0xa2: {  	[sflag:s0] =	ssyncadd.tile.s32 @!p0 $0x1;
	_ =	shalt  }
.Lfunc_end2:
_tile_overlayer_lowered:
.L_overlay_start_2:
0xa3: {  	(tag) =	ssettag $0x2  }
0xa4: {  	s0 =	rddreg [dreg:$0x0];
	s2 =	stileid.u32  }
0xa5: {  	s1 =	rddreg [dreg:$0x1];
	p0 =	sne.s32 s2, $0x0  }
0xa6: {  	s3 =	rddreg [dreg:$0x2];
	[bflag:$0x3] =	sbarrier.arrive $0xFFFF;
	s2 =	simm.s32 @!p0 $0x1C07  }
0xa7: {  	[timem:s3], [sflag:s2] =	dma.local @!p0 [hbm:s0], s1  }
0xa8: {  	s0 =	simm.s32 @!p0 $0x7  }
0xa9: {  	_ =	swait.ge @!p0 [sflag:s0], s1  }
0xaa: {  	s1 =	ssub.s32 @!p0 $0x0, s1;
	[sflag:s0] =	ssyncset.done @!p0 $0x0  }
0xab: {  	[sflag:s0] =	ssyncadd.s32 @!p0 s1  }
0xac: {  	[bflag:$0x3] =	sbarrier.arrive $0xFFFF  }
0xad: {  	_ =	shalt  }

</sc_bundles>
